<compile_context>
chip_gen: v7x
topology: tpu7x:2x2x1
jax: 0.10.2.dev20260603
libtpu: 0.0.44.dev20260713+nightly
codegen_flags: <defaults>
</compile_context>

<pallas_src>
import functools

import jax
import jax.numpy as jnp
from jax import lax
from jax.experimental import pallas as pl
from jax.experimental.pallas import tpu as pltpu
from jax.experimental.pallas import tpu_sc as plsc

B = 1024
V = 100000
TOP_K = 30
NORM_DIM = 16

NC = 2
NS = 16
NW = NC * NS
ROWS_PER_W = B // NW
CHUNK = 20000
NCHUNK = V // CHUNK
VREGS_PER_BLOCK = 50
BLOCKS_PER_CHUNK = CHUNK // (VREGS_PER_BLOCK * 16)

NEG_INF = float("-inf")
BIG_I32 = 1 << 30


def _lane():
    return lax.iota(jnp.int32, 16)


def _sortd(v):
    k, _ = plsc.sort_key_val(v, v, descending=True)
    return k


def _rev(v):
    return lax.rev(v, (0,))


def _extract(v, i):
    return jnp.max(jnp.where(_lane() == i, v, NEG_INF))


def _merge_top32(T0, T1, t30, v):
    c = jnp.where(v > t30, v, NEG_INF)
    s = _sortd(c)
    rs = _rev(s)
    hi = jnp.maximum(T0, rs)
    lo = jnp.minimum(T0, rs)
    T0n = _sortd(hi)
    rlo = _rev(_sortd(lo))
    T1n = _sortd(jnp.maximum(T1, rlo))
    return T0n, T1n, _extract(T1n, 13)


def _sc_topk_argmax():
    mesh = plsc.VectorSubcoreMesh(core_axis_name="c", subcore_axis_name="s")

    @functools.partial(
        pl.kernel,
        mesh=mesh,
        compiler_params=pltpu.CompilerParams(needs_layout_passes=False),
        out_type=[
            jax.ShapeDtypeStruct((B,), jnp.float32),
            jax.ShapeDtypeStruct((B,), jnp.int32),
        ],
        scratch_types=[
            pltpu.VMEM((CHUNK,), jnp.float32),
            pltpu.VMEM((ROWS_PER_W,), jnp.int32),
            pltpu.VMEM((32,), jnp.float32),
            pltpu.VMEM((16,), jnp.float32),
            pltpu.VMEM((16,), jnp.int32),
        ],
    )
    def body(logits_hbm, knn_hbm, labels_hbm, w2_hbm,
             out_p, out_t, buf, lab_v, w2_v, stage_p, stage_t):
        cid = lax.axis_index("c")
        sid = lax.axis_index("s")
        wid = sid * NC + cid
        base = wid * ROWS_PER_W
        lane = _lane()
        neg16 = jnp.full((16,), NEG_INF, jnp.float32)

        pltpu.sync_copy(labels_hbm.at[pl.ds(base, ROWS_PER_W)], lab_v)
        pltpu.sync_copy(w2_hbm, w2_v)
        wA = w2_v[pl.ds(0, 16)]
        wB = w2_v[pl.ds(16, 16)]

        def block_lane_max(vbase):
            accs = [neg16, neg16, neg16, neg16]
            for g in range(VREGS_PER_BLOCK):
                v = buf[pl.ds((vbase + g) * 16, 16)]
                accs[g % 4] = jnp.maximum(accs[g % 4], v)
            return jnp.maximum(jnp.maximum(accs[0], accs[1]),
                               jnp.maximum(accs[2], accs[3]))

        def scan_array(src_hbm, roff, want_topk):

            def chunk_body(ck, st):
                pltpu.sync_copy(src_hbm.at[pl.ds(roff + ck * CHUNK, CHUNK)],
                                buf)

                def blk_body(b, st2):
                    T0, T1, t30, gmax, gidx = st2
                    vbase = b * VREGS_PER_BLOCK
                    acc = block_lane_max(vbase)

                    if want_topk:
                        def do_topk(s3):
                            def g_body(g, s4):
                                v = buf[pl.ds((vbase + g) * 16, 16)]
                                return lax.cond(
                                    jnp.any(v > s4[2]),
                                    lambda s5: _merge_top32(*s5, v),
                                    lambda s5: s5,
                                    s4)
                            return lax.fori_loop(0, VREGS_PER_BLOCK,
                                                 g_body, s3)
                        T0, T1, t30 = lax.cond(
                            jnp.any(acc > t30), do_topk, lambda s3: s3,
                            (T0, T1, t30))

                    bm = jnp.max(acc)

                    def do_amax(st4):
                        def g_body(g, best):
                            v = buf[pl.ds((vbase + g) * 16, 16)]
                            cand = jnp.min(jnp.where(
                                v == bm, g * 16 + lane,
                                jnp.int32(BIG_I32)))
                            return jnp.minimum(best, cand)
                        pos = lax.fori_loop(0, VREGS_PER_BLOCK, g_body,
                                            jnp.int32(BIG_I32))
                        return bm, ck * CHUNK + vbase * 16 + pos

                    gmax, gidx = lax.cond(bm > gmax, do_amax,
                                          lambda st4: st4, (gmax, gidx))
                    return T0, T1, t30, gmax, gidx

                return lax.fori_loop(0, BLOCKS_PER_CHUNK, blk_body, st)

            init = (neg16, neg16, jnp.float32(NEG_INF),
                    jnp.float32(NEG_INF), jnp.int32(0))
            return lax.fori_loop(0, NCHUNK, chunk_body, init)

        def row_body(rl, carry):
            accP, accT = carry
            roff = (base + rl) * V

            T0, T1, _, _, gidx_lin = scan_array(logits_hbm, roff, True)
            _, _, _, _, gidx_knn = scan_array(knn_hbm, roff, False)

            T1m = jnp.where(lane < 14, T1, 0.0)
            partial = jnp.sum(T0 * wA) + jnp.sum(T1m * wB)

            lab_vec = lab_v[pl.ds((rl // 16) * 16, 16)]
            label_r = jnp.min(jnp.where(lane == rl % 16, lab_vec,
                                        jnp.int32(BIG_I32)))
            targ = jnp.where((gidx_lin != label_r) & (gidx_knn == label_r),
                             jnp.int32(1), jnp.int32(0))

            lsel = lane == (rl % 16)
            accP = jnp.where(lsel, partial, accP)
            accT = jnp.where(lsel, targ, accT)

            @pl.when(rl % 16 == 15)
            def _():
                stage_p[...] = accP
                stage_t[...] = accT
                off = base + (rl // 16) * 16
                pltpu.sync_copy(stage_p, out_p.at[pl.ds(off, 16)])
                pltpu.sync_copy(stage_t, out_t.at[pl.ds(off, 16)])

            return accP, accT

        lax.fori_loop(0, ROWS_PER_W, row_body,
                      (jnp.zeros((16,), jnp.float32),
                       jnp.zeros((16,), jnp.int32)))

    return body


_SC_KERNEL = _sc_topk_argmax()


def _tc_head(nf_ref, w1t_ref, b1_ref, w2f_ref, b2_ref, part_ref, out_ref):
    h = jnp.dot(nf_ref[...], w1t_ref[...],
                preferred_element_type=jnp.float32) + b1_ref[...]
    h = jnp.where(h >= 0, h, h * 0.1)
    out_ref[...] = (jnp.dot(h, w2f_ref[...],
                            preferred_element_type=jnp.float32)
                    + b2_ref[...] + part_ref[...])


def kernel(normalized_features, logits, knn_logits, labels, W1, b1, W2, b2):
    labels_i = labels.astype(jnp.int32)
    w2row = W2.reshape(-1)
    w2_top = jnp.concatenate(
        [w2row[:TOP_K], jnp.zeros((32 - TOP_K,), jnp.float32)])

    partial, targ = _SC_KERNEL(
        logits.reshape(-1), knn_logits.reshape(-1), labels_i, w2_top)

    out2d = pl.pallas_call(
        _tc_head,
        out_shape=jax.ShapeDtypeStruct((B, 1), jnp.float32),
    )(normalized_features, W1.T, b1.reshape(1, NORM_DIM),
      w2row[TOP_K:TOP_K + NORM_DIM].reshape(NORM_DIM, 1),
      b2.reshape(1, 1), partial.reshape(B, 1))

    return out2d.reshape(-1), targ.astype(jnp.bool_)

# --- scband reference (transcript-rebuilt; emitter-appended) ---
"""Pipeline reference for scband-assignment-module-17514876633723 (READ-ONLY COPY).

The authoritative reference and input builder live on the scoring server;
editing this copy changes nothing except your own understanding.
"""

import jax, jax.numpy as jnp
import numpy as np

B = 1024
V = 100000
FEAT_DIM = 512
TOP_K = 30
NORM_DIM = 16


def setup_inputs(seed: int = 0) -> dict:
    key = jax.random.key(seed)
    k1, k2, k3, k4, k5, k6, k7, k8 = jax.random.split(key, 8)
    normalized_features = jax.random.normal(k1, (B, FEAT_DIM), dtype=jnp.float32)
    logits = jax.random.normal(k2, (B, V), dtype=jnp.float32)
    knn_logits = jax.random.normal(k3, (B, V), dtype=jnp.float32)
    labels = jax.random.randint(k4, (B,), 0, V, dtype=jnp.int64)
    # layer_feat_norm: Linear(feat_dim, layer_feat_norm_dim)
    W1 = jax.random.normal(k5, (NORM_DIM, FEAT_DIM), dtype=jnp.float32) * (1.0 / np.sqrt(FEAT_DIM))
    b1 = jax.random.normal(k6, (NORM_DIM,), dtype=jnp.float32) * 0.01
    # pred_fc: Linear(layer_feat_norm_dim + top_k, 1)
    W2 = jax.random.normal(k7, (1, NORM_DIM + TOP_K), dtype=jnp.float32) * (1.0 / np.sqrt(NORM_DIM + TOP_K))
    b2 = jax.random.normal(k8, (1,), dtype=jnp.float32) * 0.01
    return {
        'normalized_features': normalized_features,
        'logits': logits,
        'knn_logits': knn_logits,
        'labels': labels,
        'W1': W1,
        'b1': b1,
        'W2': W2,
        'b2': b2,
    }


def leaky_relu(x, slope=0.1):
    return jnp.where(x >= 0, x, slope * x)


def reference(normalized_features, logits, knn_logits, labels, W1, b1, W2, b2):
    correctness_linear = jnp.argmax(logits, axis=1) == labels
    correctness_knn = jnp.argmax(knn_logits, axis=1) == labels
    target = (~correctness_linear) & correctness_knn
    feature = leaky_relu(normalized_features @ W1.T + b1)
    topk, _ = jax.lax.top_k(logits, TOP_K)
    concat_input = jnp.concatenate((topk, feature), axis=1)
    output = (concat_input @ W2.T + b2).reshape((-1,))
    return (output, target)

if __name__ == "__main__":
    import jax
    _d = setup_inputs()
    print(jax.jit(kernel)(*tuple(_d.values())))

</pallas_src>

<mosaic_0001>
#map = affine_map<(d0, d1) -> (0)>
module attributes {stable_mosaic.version = 14 : i64} {
  func.func @body(%arg0: i32, %arg1: i32, %arg2: memref<102400000xf32, #tpu.memory_space<hbm>>, %arg3: memref<102400000xf32, #tpu.memory_space<hbm>>, %arg4: memref<1024xi32, #tpu.memory_space<hbm>>, %arg5: memref<32xf32, #tpu.memory_space<hbm>>, %arg6: memref<1024xf32, #tpu.memory_space<hbm>>, %arg7: memref<1024xi32, #tpu.memory_space<hbm>>, %arg8: memref<20000xf32, #tpu.memory_space<vmem>>, %arg9: memref<32xi32, #tpu.memory_space<vmem>>, %arg10: memref<32xf32, #tpu.memory_space<vmem>>, %arg11: memref<16xf32, #tpu.memory_space<vmem>>, %arg12: memref<16xi32, #tpu.memory_space<vmem>>) attributes {dimension_semantics = [#tpu.dimension_semantics<core_parallel>, #tpu.dimension_semantics<subcore_parallel>], iteration_bounds = array<i64: 2, 16>, scalar_prefetch = 0 : i64, scratch_operands = 5 : i64, tpu.core_type = #tpu.core_type<sc_vector_subcore>, window_params = [{transform_indices = #map}, {transform_indices = #map}, {transform_indices = #map}, {transform_indices = #map}, {transform_indices = #map}, {transform_indices = #map}]} {
    %mul3A = arith.constant 2 : i32
    %mul3A_0 = arith.muli %arg1, %mul3A : i32
    %add3A = arith.addi %mul3A_0, %arg0 : i32
    %mul3A_1 = arith.constant 32 : i32
    %mul3A_2 = arith.muli %add3A, %mul3A_1 : i32
    %iota3A = tpu.iota {dimensions = array<i32: 0>} : vector<16xi32>
    %broadcast_in_dim3A = arith.constant 0xFF800000 : f32
    %broadcast_in_dim3A_3 = vector.broadcast %broadcast_in_dim3A : f32 to vector<16xf32>
    "tpu.region"() ({
      %run_scoped3A = tpu.sem_alloc : memref<!tpu.dma_semaphore, #tpu.memory_space<semaphore_mem>>
      %dma_start3A = tpu.memref_slice %arg4[%mul3A_2] : memref<1024xi32, #tpu.memory_space<hbm>> -> memref<32xi32, #tpu.memory_space<hbm>>
      %dma_start3A_16 = tpu.memref_slice %arg4[%mul3A_2] : memref<1024xi32, #tpu.memory_space<hbm>> -> memref<32xi32, #tpu.memory_space<hbm>>
      tpu.enqueue_dma source(%dma_start3A_16 : memref<32xi32, #tpu.memory_space<hbm>>) target(%arg9 : memref<32xi32, #tpu.memory_space<vmem>>) target_semaphore(%run_scoped3A : memref<!tpu.dma_semaphore, #tpu.memory_space<semaphore_mem>>)
      %dma_wait3A = tpu.memref_slice %arg4[%mul3A_2] : memref<1024xi32, #tpu.memory_space<hbm>> -> memref<32xi32, #tpu.memory_space<hbm>>
      %dma_wait3A_17 = tpu.memref_slice %arg4[%mul3A_2] : memref<1024xi32, #tpu.memory_space<hbm>> -> memref<32xi32, #tpu.memory_space<hbm>>
      tpu.wait_dma2 semaphore(%run_scoped3A : memref<!tpu.dma_semaphore, #tpu.memory_space<semaphore_mem>>) src(%dma_wait3A_17 : memref<32xi32, #tpu.memory_space<hbm>>) dst(%arg9 : memref<32xi32, #tpu.memory_space<vmem>>)
      tpu.yield
    }) : () -> ()
    "tpu.region"() ({
      %run_scoped3A = tpu.sem_alloc : memref<!tpu.dma_semaphore, #tpu.memory_space<semaphore_mem>>
      tpu.enqueue_dma source(%arg5 : memref<32xf32, #tpu.memory_space<hbm>>) target(%arg10 : memref<32xf32, #tpu.memory_space<vmem>>) target_semaphore(%run_scoped3A : memref<!tpu.dma_semaphore, #tpu.memory_space<semaphore_mem>>)
      tpu.wait_dma2 semaphore(%run_scoped3A : memref<!tpu.dma_semaphore, #tpu.memory_space<semaphore_mem>>) src(%arg5 : memref<32xf32, #tpu.memory_space<hbm>>) dst(%arg10 : memref<32xf32, #tpu.memory_space<vmem>>)
      tpu.yield
    }) : () -> ()
    %get3A = arith.constant 0 : index
    %get3A_4 = tpu.vector_load %arg10[%get3A] {strides = array<i32>} : memref<32xf32, #tpu.memory_space<vmem>>, vector<16xf32>,
    %get3A_5 = arith.constant 16 : index
    %get3A_6 = tpu.vector_load %arg10[%get3A_5] {strides = array<i32>} : memref<32xf32, #tpu.memory_space<vmem>>, vector<16xf32>,
    %broadcast_in_dim3A_7 = arith.constant 0.000000e+00 : f32
    %broadcast_in_dim3A_8 = vector.broadcast %broadcast_in_dim3A_7 : f32 to vector<16xf32>
    %broadcast_in_dim3A_9 = arith.constant 0 : i32
    %broadcast_in_dim3A_10 = vector.broadcast %broadcast_in_dim3A_9 : i32 to vector<16xi32>
    %scan3A = arith.constant 0 : i32
    %scan3A_11 = arith.constant 32 : i32
    %scan3A_12 = arith.addi %scan3A, %scan3A_11 : i32
    %scan3A_13 = arith.constant 1 : i32
    %scan3A_14:2 = scf.for %scan3A_16 = %scan3A to %scan3A_12 step %scan3A_13 iter_args(%scan3A_17 = %broadcast_in_dim3A_8, %scan3A_18 = %broadcast_in_dim3A_10) -> (vector<16xf32>, vector<16xi32>)  : i32 {
      %add3A_19 = arith.addi %mul3A_2, %scan3A_16 : i32
      %mul3A_20 = arith.constant 100000 : i32
      %mul3A_21 = arith.muli %add3A_19, %mul3A_20 : i32
      %scan3A_22 = arith.constant 0xFF800000 : f32
      %scan3A_23 = arith.constant 0xFF800000 : f32
      %scan3A_24 = arith.constant 0 : i32
      %scan3A_25 = arith.constant 0 : i32
      %scan3A_26 = arith.constant 5 : i32
      %scan3A_27 = arith.addi %scan3A_25, %scan3A_26 : i32
      %scan3A_28 = arith.constant 1 : i32
      %scan3A_29:5 = scf.for %scan3A_149 = %scan3A_25 to %scan3A_27 step %scan3A_28 iter_args(%scan3A_150 = %broadcast_in_dim3A_3, %scan3A_151 = %broadcast_in_dim3A_3, %scan3A_152 = %scan3A_22, %scan3A_153 = %scan3A_23, %scan3A_154 = %scan3A_24) -> (vector<16xf32>, vector<16xf32>, f32, f32, i32)  : i32 {
        %mul3A_155 = arith.constant 20000 : i32
        %mul3A_156 = arith.muli %scan3A_149, %mul3A_155 : i32
        %add3A_157 = arith.addi %mul3A_21, %mul3A_156 : i32
        "tpu.region"() ({
          %run_scoped3A = tpu.sem_alloc : memref<!tpu.dma_semaphore, #tpu.memory_space<semaphore_mem>>
          %dma_start3A = tpu.memref_slice %arg2[%add3A_157] : memref<102400000xf32, #tpu.memory_space<hbm>> -> memref<20000xf32, #tpu.memory_space<hbm>>
          %dma_start3A_164 = tpu.memref_slice %arg2[%add3A_157] : memref<102400000xf32, #tpu.memory_space<hbm>> -> memref<20000xf32, #tpu.memory_space<hbm>>
          tpu.enqueue_dma source(%dma_start3A_164 : memref<20000xf32, #tpu.memory_space<hbm>>) target(%arg8 : memref<20000xf32, #tpu.memory_space<vmem>>) target_semaphore(%run_scoped3A : memref<!tpu.dma_semaphore, #tpu.memory_space<semaphore_mem>>)
          %dma_wait3A = tpu.memref_slice %arg2[%add3A_157] : memref<102400000xf32, #tpu.memory_space<hbm>> -> memref<20000xf32, #tpu.memory_space<hbm>>
          %dma_wait3A_165 = tpu.memref_slice %arg2[%add3A_157] : memref<102400000xf32, #tpu.memory_space<hbm>> -> memref<20000xf32, #tpu.memory_space<hbm>>
          tpu.wait_dma2 semaphore(%run_scoped3A : memref<!tpu.dma_semaphore, #tpu.memory_space<semaphore_mem>>) src(%dma_wait3A_165 : memref<20000xf32, #tpu.memory_space<hbm>>) dst(%arg8 : memref<20000xf32, #tpu.memory_space<vmem>>)
          tpu.yield
        }) : () -> ()
        %scan3A_158 = arith.constant 0 : i32
        %scan3A_159 = arith.constant 25 : i32
        %scan3A_160 = arith.addi %scan3A_158, %scan3A_159 : i32
        %scan3A_161 = arith.constant 1 : i32
        %scan3A_162:5 = scf.for %scan3A_164 = %scan3A_158 to %scan3A_160 step %scan3A_161 iter_args(%scan3A_165 = %scan3A_150, %scan3A_166 = %scan3A_151, %scan3A_167 = %scan3A_152, %scan3A_168 = %scan3A_153, %scan3A_169 = %scan3A_154) -> (vector<16xf32>, vector<16xf32>, f32, f32, i32)  : i32 {
          %mul3A_170 = arith.constant 50 : i32
          %mul3A_171 = arith.muli %scan3A_164, %mul3A_170 : i32
          %add3A_172 = arith.constant 0 : i32
          %add3A_173 = arith.addi %mul3A_171, %add3A_172 : i32
          %mul3A_174 = arith.constant 16 : i32
          %mul3A_175 = arith.muli %add3A_173, %mul3A_174 : i32
          %get3A_176 = arith.index_cast %mul3A_175 : i32 to index
          %get3A_177 = tpu.vector_load %arg8[%get3A_176] {strides = array<i32>} : memref<20000xf32, #tpu.memory_space<vmem>>, vector<16xf32>,
          %max3A = arith.maximumf %broadcast_in_dim3A_3, %get3A_177 : vector<16xf32>
          %add3A_178 = arith.constant 1 : i32
          %add3A_179 = arith.addi %mul3A_171, %add3A_178 : i32
          %mul3A_180 = arith.constant 16 : i32
          %mul3A_181 = arith.muli %add3A_179, %mul3A_180 : i32
          %get3A_182 = arith.index_cast %mul3A_181 : i32 to index
          %get3A_183 = tpu.vector_load %arg8[%get3A_182] {strides = array<i32>} : memref<20000xf32, #tpu.memory_space<vmem>>, vector<16xf32>,
          %max3A_184 = arith.maximumf %broadcast_in_dim3A_3, %get3A_183 : vector<16xf32>
          %add3A_185 = arith.constant 2 : i32
          %add3A_186 = arith.addi %mul3A_171, %add3A_185 : i32
          %mul3A_187 = arith.constant 16 : i32
          %mul3A_188 = arith.muli %add3A_186, %mul3A_187 : i32
          %get3A_189 = arith.index_cast %mul3A_188 : i32 to index
          %get3A_190 = tpu.vector_load %arg8[%get3A_189] {strides = array<i32>} : memref<20000xf32, #tpu.memory_space<vmem>>, vector<16xf32>,
          %max3A_191 = arith.maximumf %broadcast_in_dim3A_3, %get3A_190 : vector<16xf32>
          %add3A_192 = arith.constant 3 : i32
          %add3A_193 = arith.addi %mul3A_171, %add3A_192 : i32
          %mul3A_194 = arith.constant 16 : i32
          %mul3A_195 = arith.muli %add3A_193, %mul3A_194 : i32
          %get3A_196 = arith.index_cast %mul3A_195 : i32 to index
          %get3A_197 = tpu.vector_load %arg8[%get3A_196] {strides = array<i32>} : memref<20000xf32, #tpu.memory_space<vmem>>, vector<16xf32>,
          %max3A_198 = arith.maximumf %broadcast_in_dim3A_3, %get3A_197 : vector<16xf32>
          %add3A_199 = arith.constant 4 : i32
          %add3A_200 = arith.addi %mul3A_171, %add3A_199 : i32
          %mul3A_201 = arith.constant 16 : i32
          %mul3A_202 = arith.muli %add3A_200, %mul3A_201 : i32
          %get3A_203 = arith.index_cast %mul3A_202 : i32 to index
          %get3A_204 = tpu.vector_load %arg8[%get3A_203] {strides = array<i32>} : memref<20000xf32, #tpu.memory_space<vmem>>, vector<16xf32>,
          %max3A_205 = arith.maximumf %max3A, %get3A_204 : vector<16xf32>
          %add3A_206 = arith.constant 5 : i32
          %add3A_207 = arith.addi %mul3A_171, %add3A_206 : i32
          %mul3A_208 = arith.constant 16 : i32
          %mul3A_209 = arith.muli %add3A_207, %mul3A_208 : i32
          %get3A_210 = arith.index_cast %mul3A_209 : i32 to index
          %get3A_211 = tpu.vector_load %arg8[%get3A_210] {strides = array<i32>} : memref<20000xf32, #tpu.memory_space<vmem>>, vector<16xf32>,
          %max3A_212 = arith.maximumf %max3A_184, %get3A_211 : vector<16xf32>
          %add3A_213 = arith.constant 6 : i32
          %add3A_214 = arith.addi %mul3A_171, %add3A_213 : i32
          %mul3A_215 = arith.constant 16 : i32
          %mul3A_216 = arith.muli %add3A_214, %mul3A_215 : i32
          %get3A_217 = arith.index_cast %mul3A_216 : i32 to index
          %get3A_218 = tpu.vector_load %arg8[%get3A_217] {strides = array<i32>} : memref<20000xf32, #tpu.memory_space<vmem>>, vector<16xf32>,
          %max3A_219 = arith.maximumf %max3A_191, %get3A_218 : vector<16xf32>
          %add3A_220 = arith.constant 7 : i32
          %add3A_221 = arith.addi %mul3A_171, %add3A_220 : i32
          %mul3A_222 = arith.constant 16 : i32
          %mul3A_223 = arith.muli %add3A_221, %mul3A_222 : i32
          %get3A_224 = arith.index_cast %mul3A_223 : i32 to index
          %get3A_225 = tpu.vector_load %arg8[%get3A_224] {strides = array<i32>} : memref<20000xf32, #tpu.memory_space<vmem>>, vector<16xf32>,
          %max3A_226 = arith.maximumf %max3A_198, %get3A_225 : vector<16xf32>
          %add3A_227 = arith.constant 8 : i32
          %add3A_228 = arith.addi %mul3A_171, %add3A_227 : i32
          %mul3A_229 = arith.constant 16 : i32
          %mul3A_230 = arith.muli %add3A_228, %mul3A_229 : i32
          %get3A_231 = arith.index_cast %mul3A_230 : i32 to index
          %get3A_232 = tpu.vector_load %arg8[%get3A_231] {strides = array<i32>} : memref<20000xf32, #tpu.memory_space<vmem>>, vector<16xf32>,
          %max3A_233 = arith.maximumf %max3A_205, %get3A_232 : vector<16xf32>
          %add3A_234 = arith.constant 9 : i32
          %add3A_235 = arith.addi %mul3A_171, %add3A_234 : i32
          %mul3A_236 = arith.constant 16 : i32
          %mul3A_237 = arith.muli %add3A_235, %mul3A_236 : i32
          %get3A_238 = arith.index_cast %mul3A_237 : i32 to index
          %get3A_239 = tpu.vector_load %arg8[%get3A_238] {strides = array<i32>} : memref<20000xf32, #tpu.memory_space<vmem>>, vector<16xf32>,
          %max3A_240 = arith.maximumf %max3A_212, %get3A_239 : vector<16xf32>
          %add3A_241 = arith.constant 10 : i32
          %add3A_242 = arith.addi %mul3A_171, %add3A_241 : i32
          %mul3A_243 = arith.constant 16 : i32
          %mul3A_244 = arith.muli %add3A_242, %mul3A_243 : i32
          %get3A_245 = arith.index_cast %mul3A_244 : i32 to index
          %get3A_246 = tpu.vector_load %arg8[%get3A_245] {strides = array<i32>} : memref<20000xf32, #tpu.memory_space<vmem>>, vector<16xf32>,
          %max3A_247 = arith.maximumf %max3A_219, %get3A_246 : vector<16xf32>
          %add3A_248 = arith.constant 11 : i32
          %add3A_249 = arith.addi %mul3A_171, %add3A_248 : i32
          %mul3A_250 = arith.constant 16 : i32
          %mul3A_251 = arith.muli %add3A_249, %mul3A_250 : i32
          %get3A_252 = arith.index_cast %mul3A_251 : i32 to index
          %get3A_253 = tpu.vector_load %arg8[%get3A_252] {strides = array<i32>} : memref<20000xf32, #tpu.memory_space<vmem>>, vector<16xf32>,
          %max3A_254 = arith.maximumf %max3A_226, %get3A_253 : vector<16xf32>
          %add3A_255 = arith.constant 12 : i32
          %add3A_256 = arith.addi %mul3A_171, %add3A_255 : i32
          %mul3A_257 = arith.constant 16 : i32
          %mul3A_258 = arith.muli %add3A_256, %mul3A_257 : i32
          %get3A_259 = arith.index_cast %mul3A_258 : i32 to index
          %get3A_260 = tpu.vector_load %arg8[%get3A_259] {strides = array<i32>} : memref<20000xf32, #tpu.memory_space<vmem>>, vector<16xf32>,
          %max3A_261 = arith.maximumf %max3A_233, %get3A_260 : vector<16xf32>
          %add3A_262 = arith.constant 13 : i32
          %add3A_263 = arith.addi %mul3A_171, %add3A_262 : i32
          %mul3A_264 = arith.constant 16 : i32
          %mul3A_265 = arith.muli %add3A_263, %mul3A_264 : i32
          %get3A_266 = arith.index_cast %mul3A_265 : i32 to index
          %get3A_267 = tpu.vector_load %arg8[%get3A_266] {strides = array<i32>} : memref<20000xf32, #tpu.memory_space<vmem>>, vector<16xf32>,
          %max3A_268 = arith.maximumf %max3A_240, %get3A_267 : vector<16xf32>
          %add3A_269 = arith.constant 14 : i32
          %add3A_270 = arith.addi %mul3A_171, %add3A_269 : i32
          %mul3A_271 = arith.constant 16 : i32
          %mul3A_272 = arith.muli %add3A_270, %mul3A_271 : i32
          %get3A_273 = arith.index_cast %mul3A_272 : i32 to index
          %get3A_274 = tpu.vector_load %arg8[%get3A_273] {strides = array<i32>} : memref<20000xf32, #tpu.memory_space<vmem>>, vector<16xf32>,
          %max3A_275 = arith.maximumf %max3A_247, %get3A_274 : vector<16xf32>
          %add3A_276 = arith.constant 15 : i32
          %add3A_277 = arith.addi %mul3A_171, %add3A_276 : i32
          %mul3A_278 = arith.constant 16 : i32
          %mul3A_279 = arith.muli %add3A_277, %mul3A_278 : i32
          %get3A_280 = arith.index_cast %mul3A_279 : i32 to index
          %get3A_281 = tpu.vector_load %arg8[%get3A_280] {strides = array<i32>} : memref<20000xf32, #tpu.memory_space<vmem>>, vector<16xf32>,
          %max3A_282 = arith.maximumf %max3A_254, %get3A_281 : vector<16xf32>
          %add3A_283 = arith.constant 16 : i32
          %add3A_284 = arith.addi %mul3A_171, %add3A_283 : i32
          %mul3A_285 = arith.constant 16 : i32
          %mul3A_286 = arith.muli %add3A_284, %mul3A_285 : i32
          %get3A_287 = arith.index_cast %mul3A_286 : i32 to index
          %get3A_288 = tpu.vector_load %arg8[%get3A_287] {strides = array<i32>} : memref<20000xf32, #tpu.memory_space<vmem>>, vector<16xf32>,
          %max3A_289 = arith.maximumf %max3A_261, %get3A_288 : vector<16xf32>
          %add3A_290 = arith.constant 17 : i32
          %add3A_291 = arith.addi %mul3A_171, %add3A_290 : i32
          %mul3A_292 = arith.constant 16 : i32
          %mul3A_293 = arith.muli %add3A_291, %mul3A_292 : i32
          %get3A_294 = arith.index_cast %mul3A_293 : i32 to index
          %get3A_295 = tpu.vector_load %arg8[%get3A_294] {strides = array<i32>} : memref<20000xf32, #tpu.memory_space<vmem>>, vector<16xf32>,
          %max3A_296 = arith.maximumf %max3A_268, %get3A_295 : vector<16xf32>
          %add3A_297 = arith.constant 18 : i32
          %add3A_298 = arith.addi %mul3A_171, %add3A_297 : i32
          %mul3A_299 = arith.constant 16 : i32
          %mul3A_300 = arith.muli %add3A_298, %mul3A_299 : i32
          %get3A_301 = arith.index_cast %mul3A_300 : i32 to index
          %get3A_302 = tpu.vector_load %arg8[%get3A_301] {strides = array<i32>} : memref<20000xf32, #tpu.memory_space<vmem>>, vector<16xf32>,
          %max3A_303 = arith.maximumf %max3A_275, %get3A_302 : vector<16xf32>
          %add3A_304 = arith.constant 19 : i32
          %add3A_305 = arith.addi %mul3A_171, %add3A_304 : i32
          %mul3A_306 = arith.constant 16 : i32
          %mul3A_307 = arith.muli %add3A_305, %mul3A_306 : i32
          %get3A_308 = arith.index_cast %mul3A_307 : i32 to index
          %get3A_309 = tpu.vector_load %arg8[%get3A_308] {strides = array<i32>} : memref<20000xf32, #tpu.memory_space<vmem>>, vector<16xf32>,
          %max3A_310 = arith.maximumf %max3A_282, %get3A_309 : vector<16xf32>
          %add3A_311 = arith.constant 20 : i32
          %add3A_312 = arith.addi %mul3A_171, %add3A_311 : i32
          %mul3A_313 = arith.constant 16 : i32
          %mul3A_314 = arith.muli %add3A_312, %mul3A_313 : i32
          %get3A_315 = arith.index_cast %mul3A_314 : i32 to index
          %get3A_316 = tpu.vector_load %arg8[%get3A_315] {strides = array<i32>} : memref<20000xf32, #tpu.memory_space<vmem>>, vector<16xf32>,
          %max3A_317 = arith.maximumf %max3A_289, %get3A_316 : vector<16xf32>
          %add3A_318 = arith.constant 21 : i32
          %add3A_319 = arith.addi %mul3A_171, %add3A_318 : i32
          %mul3A_320 = arith.constant 16 : i32
          %mul3A_321 = arith.muli %add3A_319, %mul3A_320 : i32
          %get3A_322 = arith.index_cast %mul3A_321 : i32 to index
          %get3A_323 = tpu.vector_load %arg8[%get3A_322] {strides = array<i32>} : memref<20000xf32, #tpu.memory_space<vmem>>, vector<16xf32>,
          %max3A_324 = arith.maximumf %max3A_296, %get3A_323 : vector<16xf32>
          %add3A_325 = arith.constant 22 : i32
          %add3A_326 = arith.addi %mul3A_171, %add3A_325 : i32
          %mul3A_327 = arith.constant 16 : i32
          %mul3A_328 = arith.muli %add3A_326, %mul3A_327 : i32
          %get3A_329 = arith.index_cast %mul3A_328 : i32 to index
          %get3A_330 = tpu.vector_load %arg8[%get3A_329] {strides = array<i32>} : memref<20000xf32, #tpu.memory_space<vmem>>, vector<16xf32>,
          %max3A_331 = arith.maximumf %max3A_303, %get3A_330 : vector<16xf32>
          %add3A_332 = arith.constant 23 : i32
          %add3A_333 = arith.addi %mul3A_171, %add3A_332 : i32
          %mul3A_334 = arith.constant 16 : i32
          %mul3A_335 = arith.muli %add3A_333, %mul3A_334 : i32
          %get3A_336 = arith.index_cast %mul3A_335 : i32 to index
          %get3A_337 = tpu.vector_load %arg8[%get3A_336] {strides = array<i32>} : memref<20000xf32, #tpu.memory_space<vmem>>, vector<16xf32>,
          %max3A_338 = arith.maximumf %max3A_310, %get3A_337 : vector<16xf32>
          %add3A_339 = arith.constant 24 : i32
          %add3A_340 = arith.addi %mul3A_171, %add3A_339 : i32
          %mul3A_341 = arith.constant 16 : i32
          %mul3A_342 = arith.muli %add3A_340, %mul3A_341 : i32
          %get3A_343 = arith.index_cast %mul3A_342 : i32 to index
          %get3A_344 = tpu.vector_load %arg8[%get3A_343] {strides = array<i32>} : memref<20000xf32, #tpu.memory_space<vmem>>, vector<16xf32>,
          %max3A_345 = arith.maximumf %max3A_317, %get3A_344 : vector<16xf32>
          %add3A_346 = arith.constant 25 : i32
          %add3A_347 = arith.addi %mul3A_171, %add3A_346 : i32
          %mul3A_348 = arith.constant 16 : i32
          %mul3A_349 = arith.muli %add3A_347, %mul3A_348 : i32
          %get3A_350 = arith.index_cast %mul3A_349 : i32 to index
          %get3A_351 = tpu.vector_load %arg8[%get3A_350] {strides = array<i32>} : memref<20000xf32, #tpu.memory_space<vmem>>, vector<16xf32>,
          %max3A_352 = arith.maximumf %max3A_324, %get3A_351 : vector<16xf32>
          %add3A_353 = arith.constant 26 : i32
          %add3A_354 = arith.addi %mul3A_171, %add3A_353 : i32
          %mul3A_355 = arith.constant 16 : i32
          %mul3A_356 = arith.muli %add3A_354, %mul3A_355 : i32
          %get3A_357 = arith.index_cast %mul3A_356 : i32 to index
          %get3A_358 = tpu.vector_load %arg8[%get3A_357] {strides = array<i32>} : memref<20000xf32, #tpu.memory_space<vmem>>, vector<16xf32>,
          %max3A_359 = arith.maximumf %max3A_331, %get3A_358 : vector<16xf32>
          %add3A_360 = arith.constant 27 : i32
          %add3A_361 = arith.addi %mul3A_171, %add3A_360 : i32
          %mul3A_362 = arith.constant 16 : i32
          %mul3A_363 = arith.muli %add3A_361, %mul3A_362 : i32
          %get3A_364 = arith.index_cast %mul3A_363 : i32 to index
          %get3A_365 = tpu.vector_load %arg8[%get3A_364] {strides = array<i32>} : memref<20000xf32, #tpu.memory_space<vmem>>, vector<16xf32>,
          %max3A_366 = arith.maximumf %max3A_338, %get3A_365 : vector<16xf32>
          %add3A_367 = arith.constant 28 : i32
          %add3A_368 = arith.addi %mul3A_171, %add3A_367 : i32
          %mul3A_369 = arith.constant 16 : i32
          %mul3A_370 = arith.muli %add3A_368, %mul3A_369 : i32
          %get3A_371 = arith.index_cast %mul3A_370 : i32 to index
          %get3A_372 = tpu.vector_load %arg8[%get3A_371] {strides = array<i32>} : memref<20000xf32, #tpu.memory_space<vmem>>, vector<16xf32>,
          %max3A_373 = arith.maximumf %max3A_345, %get3A_372 : vector<16xf32>
          %add3A_374 = arith.constant 29 : i32
          %add3A_375 = arith.addi %mul3A_171, %add3A_374 : i32
          %mul3A_376 = arith.constant 16 : i32
          %mul3A_377 = arith.muli %add3A_375, %mul3A_376 : i32
          %get3A_378 = arith.index_cast %mul3A_377 : i32 to index
          %get3A_379 = tpu.vector_load %arg8[%get3A_378] {strides = array<i32>} : memref<20000xf32, #tpu.memory_space<vmem>>, vector<16xf32>,
          %max3A_380 = arith.maximumf %max3A_352, %get3A_379 : vector<16xf32>
          %add3A_381 = arith.constant 30 : i32
          %add3A_382 = arith.addi %mul3A_171, %add3A_381 : i32
          %mul3A_383 = arith.constant 16 : i32
          %mul3A_384 = arith.muli %add3A_382, %mul3A_383 : i32
          %get3A_385 = arith.index_cast %mul3A_384 : i32 to index
          %get3A_386 = tpu.vector_load %arg8[%get3A_385] {strides = array<i32>} : memref<20000xf32, #tpu.memory_space<vmem>>, vector<16xf32>,
          %max3A_387 = arith.maximumf %max3A_359, %get3A_386 : vector<16xf32>
          %add3A_388 = arith.constant 31 : i32
          %add3A_389 = arith.addi %mul3A_171, %add3A_388 : i32
          %mul3A_390 = arith.constant 16 : i32
          %mul3A_391 = arith.muli %add3A_389, %mul3A_390 : i32
          %get3A_392 = arith.index_cast %mul3A_391 : i32 to index
          %get3A_393 = tpu.vector_load %arg8[%get3A_392] {strides = array<i32>} : memref<20000xf32, #tpu.memory_space<vmem>>, vector<16xf32>,
          %max3A_394 = arith.maximumf %max3A_366, %get3A_393 : vector<16xf32>
          %add3A_395 = arith.constant 32 : i32
          %add3A_396 = arith.addi %mul3A_171, %add3A_395 : i32
          %mul3A_397 = arith.constant 16 : i32
          %mul3A_398 = arith.muli %add3A_396, %mul3A_397 : i32
          %get3A_399 = arith.index_cast %mul3A_398 : i32 to index
          %get3A_400 = tpu.vector_load %arg8[%get3A_399] {strides = array<i32>} : memref<20000xf32, #tpu.memory_space<vmem>>, vector<16xf32>,
          %max3A_401 = arith.maximumf %max3A_373, %get3A_400 : vector<16xf32>
          %add3A_402 = arith.constant 33 : i32
          %add3A_403 = arith.addi %mul3A_171, %add3A_402 : i32
          %mul3A_404 = arith.constant 16 : i32
          %mul3A_405 = arith.muli %add3A_403, %mul3A_404 : i32
          %get3A_406 = arith.index_cast %mul3A_405 : i32 to index
          %get3A_407 = tpu.vector_load %arg8[%get3A_406] {strides = array<i32>} : memref<20000xf32, #tpu.memory_space<vmem>>, vector<16xf32>,
          %max3A_408 = arith.maximumf %max3A_380, %get3A_407 : vector<16xf32>
          %add3A_409 = arith.constant 34 : i32
          %add3A_410 = arith.addi %mul3A_171, %add3A_409 : i32
          %mul3A_411 = arith.constant 16 : i32
          %mul3A_412 = arith.muli %add3A_410, %mul3A_411 : i32
          %get3A_413 = arith.index_cast %mul3A_412 : i32 to index
          %get3A_414 = tpu.vector_load %arg8[%get3A_413] {strides = array<i32>} : memref<20000xf32, #tpu.memory_space<vmem>>, vector<16xf32>,
          %max3A_415 = arith.maximumf %max3A_387, %get3A_414 : vector<16xf32>
          %add3A_416 = arith.constant 35 : i32
          %add3A_417 = arith.addi %mul3A_171, %add3A_416 : i32
          %mul3A_418 = arith.constant 16 : i32
          %mul3A_419 = arith.muli %add3A_417, %mul3A_418 : i32
          %get3A_420 = arith.index_cast %mul3A_419 : i32 to index
          %get3A_421 = tpu.vector_load %arg8[%get3A_420] {strides = array<i32>} : memref<20000xf32, #tpu.memory_space<vmem>>, vector<16xf32>,
          %max3A_422 = arith.maximumf %max3A_394, %get3A_421 : vector<16xf32>
          %add3A_423 = arith.constant 36 : i32
          %add3A_424 = arith.addi %mul3A_171, %add3A_423 : i32
          %mul3A_425 = arith.constant 16 : i32
          %mul3A_426 = arith.muli %add3A_424, %mul3A_425 : i32
          %get3A_427 = arith.index_cast %mul3A_426 : i32 to index
          %get3A_428 = tpu.vector_load %arg8[%get3A_427] {strides = array<i32>} : memref<20000xf32, #tpu.memory_space<vmem>>, vector<16xf32>,
          %max3A_429 = arith.maximumf %max3A_401, %get3A_428 : vector<16xf32>
          %add3A_430 = arith.constant 37 : i32
          %add3A_431 = arith.addi %mul3A_171, %add3A_430 : i32
          %mul3A_432 = arith.constant 16 : i32
          %mul3A_433 = arith.muli %add3A_431, %mul3A_432 : i32
          %get3A_434 = arith.index_cast %mul3A_433 : i32 to index
          %get3A_435 = tpu.vector_load %arg8[%get3A_434] {strides = array<i32>} : memref<20000xf32, #tpu.memory_space<vmem>>, vector<16xf32>,
          %max3A_436 = arith.maximumf %max3A_408, %get3A_435 : vector<16xf32>
          %add3A_437 = arith.constant 38 : i32
          %add3A_438 = arith.addi %mul3A_171, %add3A_437 : i32
          %mul3A_439 = arith.constant 16 : i32
          %mul3A_440 = arith.muli %add3A_438, %mul3A_439 : i32
          %get3A_441 = arith.index_cast %mul3A_440 : i32 to index
          %get3A_442 = tpu.vector_load %arg8[%get3A_441] {strides = array<i32>} : memref<20000xf32, #tpu.memory_space<vmem>>, vector<16xf32>,
          %max3A_443 = arith.maximumf %max3A_415, %get3A_442 : vector<16xf32>
          %add3A_444 = arith.constant 39 : i32
          %add3A_445 = arith.addi %mul3A_171, %add3A_444 : i32
          %mul3A_446 = arith.constant 16 : i32
          %mul3A_447 = arith.muli %add3A_445, %mul3A_446 : i32
          %get3A_448 = arith.index_cast %mul3A_447 : i32 to index
          %get3A_449 = tpu.vector_load %arg8[%get3A_448] {strides = array<i32>} : memref<20000xf32, #tpu.memory_space<vmem>>, vector<16xf32>,
          %max3A_450 = arith.maximumf %max3A_422, %get3A_449 : vector<16xf32>
          %add3A_451 = arith.constant 40 : i32
          %add3A_452 = arith.addi %mul3A_171, %add3A_451 : i32
          %mul3A_453 = arith.constant 16 : i32
          %mul3A_454 = arith.muli %add3A_452, %mul3A_453 : i32
          %get3A_455 = arith.index_cast %mul3A_454 : i32 to index
          %get3A_456 = tpu.vector_load %arg8[%get3A_455] {strides = array<i32>} : memref<20000xf32, #tpu.memory_space<vmem>>, vector<16xf32>,
          %max3A_457 = arith.maximumf %max3A_429, %get3A_456 : vector<16xf32>
          %add3A_458 = arith.constant 41 : i32
          %add3A_459 = arith.addi %mul3A_171, %add3A_458 : i32
          %mul3A_460 = arith.constant 16 : i32
          %mul3A_461 = arith.muli %add3A_459, %mul3A_460 : i32
          %get3A_462 = arith.index_cast %mul3A_461 : i32 to index
          %get3A_463 = tpu.vector_load %arg8[%get3A_462] {strides = array<i32>} : memref<20000xf32, #tpu.memory_space<vmem>>, vector<16xf32>,
          %max3A_464 = arith.maximumf %max3A_436, %get3A_463 : vector<16xf32>
          %add3A_465 = arith.constant 42 : i32
          %add3A_466 = arith.addi %mul3A_171, %add3A_465 : i32
          %mul3A_467 = arith.constant 16 : i32
          %mul3A_468 = arith.muli %add3A_466, %mul3A_467 : i32
          %get3A_469 = arith.index_cast %mul3A_468 : i32 to index
          %get3A_470 = tpu.vector_load %arg8[%get3A_469] {strides = array<i32>} : memref<20000xf32, #tpu.memory_space<vmem>>, vector<16xf32>,
          %max3A_471 = arith.maximumf %max3A_443, %get3A_470 : vector<16xf32>
          %add3A_472 = arith.constant 43 : i32
          %add3A_473 = arith.addi %mul3A_171, %add3A_472 : i32
          %mul3A_474 = arith.constant 16 : i32
          %mul3A_475 = arith.muli %add3A_473, %mul3A_474 : i32
          %get3A_476 = arith.index_cast %mul3A_475 : i32 to index
          %get3A_477 = tpu.vector_load %arg8[%get3A_476] {strides = array<i32>} : memref<20000xf32, #tpu.memory_space<vmem>>, vector<16xf32>,
          %max3A_478 = arith.maximumf %max3A_450, %get3A_477 : vector<16xf32>
          %add3A_479 = arith.constant 44 : i32
          %add3A_480 = arith.addi %mul3A_171, %add3A_479 : i32
          %mul3A_481 = arith.constant 16 : i32
          %mul3A_482 = arith.muli %add3A_480, %mul3A_481 : i32
          %get3A_483 = arith.index_cast %mul3A_482 : i32 to index
          %get3A_484 = tpu.vector_load %arg8[%get3A_483] {strides = array<i32>} : memref<20000xf32, #tpu.memory_space<vmem>>, vector<16xf32>,
          %max3A_485 = arith.maximumf %max3A_457, %get3A_484 : vector<16xf32>
          %add3A_486 = arith.constant 45 : i32
          %add3A_487 = arith.addi %mul3A_171, %add3A_486 : i32
          %mul3A_488 = arith.constant 16 : i32
          %mul3A_489 = arith.muli %add3A_487, %mul3A_488 : i32
          %get3A_490 = arith.index_cast %mul3A_489 : i32 to index
          %get3A_491 = tpu.vector_load %arg8[%get3A_490] {strides = array<i32>} : memref<20000xf32, #tpu.memory_space<vmem>>, vector<16xf32>,
          %max3A_492 = arith.maximumf %max3A_464, %get3A_491 : vector<16xf32>
          %add3A_493 = arith.constant 46 : i32
          %add3A_494 = arith.addi %mul3A_171, %add3A_493 : i32
          %mul3A_495 = arith.constant 16 : i32
          %mul3A_496 = arith.muli %add3A_494, %mul3A_495 : i32
          %get3A_497 = arith.index_cast %mul3A_496 : i32 to index
          %get3A_498 = tpu.vector_load %arg8[%get3A_497] {strides = array<i32>} : memref<20000xf32, #tpu.memory_space<vmem>>, vector<16xf32>,
          %max3A_499 = arith.maximumf %max3A_471, %get3A_498 : vector<16xf32>
          %add3A_500 = arith.constant 47 : i32
          %add3A_501 = arith.addi %mul3A_171, %add3A_500 : i32
          %mul3A_502 = arith.constant 16 : i32
          %mul3A_503 = arith.muli %add3A_501, %mul3A_502 : i32
          %get3A_504 = arith.index_cast %mul3A_503 : i32 to index
          %get3A_505 = tpu.vector_load %arg8[%get3A_504] {strides = array<i32>} : memref<20000xf32, #tpu.memory_space<vmem>>, vector<16xf32>,
          %max3A_506 = arith.maximumf %max3A_478, %get3A_505 : vector<16xf32>
          %add3A_507 = arith.constant 48 : i32
          %add3A_508 = arith.addi %mul3A_171, %add3A_507 : i32
          %mul3A_509 = arith.constant 16 : i32
          %mul3A_510 = arith.muli %add3A_508, %mul3A_509 : i32
          %get3A_511 = arith.index_cast %mul3A_510 : i32 to index
          %get3A_512 = tpu.vector_load %arg8[%get3A_511] {strides = array<i32>} : memref<20000xf32, #tpu.memory_space<vmem>>, vector<16xf32>,
          %max3A_513 = arith.maximumf %max3A_485, %get3A_512 : vector<16xf32>
          %add3A_514 = arith.constant 49 : i32
          %add3A_515 = arith.addi %mul3A_171, %add3A_514 : i32
          %mul3A_516 = arith.constant 16 : i32
          %mul3A_517 = arith.muli %add3A_515, %mul3A_516 : i32
          %get3A_518 = arith.index_cast %mul3A_517 : i32 to index
          %get3A_519 = tpu.vector_load %arg8[%get3A_518] {strides = array<i32>} : memref<20000xf32, #tpu.memory_space<vmem>>, vector<16xf32>,
          %max3A_520 = arith.maximumf %max3A_492, %get3A_519 : vector<16xf32>
          %max3A_521 = arith.maximumf %max3A_513, %max3A_520 : vector<16xf32>
          %max3A_522 = arith.maximumf %max3A_499, %max3A_506 : vector<16xf32>
          %max3A_523 = arith.maximumf %max3A_521, %max3A_522 : vector<16xf32>
          %gt3A = vector.broadcast %scan3A_167 : f32 to vector<16xf32>
          %gt3A_524 = arith.cmpf ogt, %max3A_523, %gt3A : vector<16xf32>
          %reduce_or3A = arith.constant 1.000000e+00 : f32
          %reduce_or3A_525 = arith.constant 0.000000e+00 : f32
          %reduce_or3A_526 = vector.broadcast %reduce_or3A : f32 to vector<16xf32>
          %reduce_or3A_527 = vector.broadcast %reduce_or3A_525 : f32 to vector<16xf32>
          %reduce_or3A_528 = arith.select %gt3A_524, %reduce_or3A_526, %reduce_or3A_527 : vector<16xi1>, vector<16xf32>
          %reduce_or3A_529 = arith.constant true
          %reduce_or3A_530 = vector.broadcast %reduce_or3A_529 : i1 to vector<16xi1>
          %reduce_or3A_531 = tpu.scan <max>, %reduce_or3A_528 masked %reduce_or3A_530 : vector<16xf32>, vector<16xi1> -> vector<16xf32>
          %reduce_or3A_532 = vector.extract %reduce_or3A_531[15] : f32 from vector<16xf32>
          %reduce_or3A_533 = arith.constant 0.000000e+00 : f32
          %reduce_or3A_534 = arith.cmpf ogt, %reduce_or3A_532, %reduce_or3A_533 : f32
          %convert_element_type3A_535 = arith.extui %reduce_or3A_534 : i1 to i32
          %cond3A_536 = arith.constant 0 : i32
          %cond3A_537 = arith.cmpi ne, %convert_element_type3A_535, %cond3A_536 : i32
          %cond3A_538:3 = scf.if %cond3A_537 -> (vector<16xf32>, vector<16xf32>, f32) {
            %scan3A_547 = arith.constant 0 : i32
            %scan3A_548 = arith.constant 50 : i32
            %scan3A_549 = arith.addi %scan3A_547, %scan3A_548 : i32
            %scan3A_550 = arith.constant 1 : i32
            %scan3A_551:3 = scf.for %scan3A_553 = %scan3A_547 to %scan3A_549 step %scan3A_550 iter_args(%scan3A_554 = %scan3A_165, %scan3A_555 = %scan3A_166, %scan3A_556 = %scan3A_167) -> (vector<16xf32>, vector<16xf32>, f32)  : i32 {
              %add3A_557 = arith.addi %mul3A_171, %scan3A_553 : i32
              %mul3A_558 = arith.constant 16 : i32
              %mul3A_559 = arith.muli %add3A_557, %mul3A_558 : i32
              %get3A_560 = arith.index_cast %mul3A_559 : i32 to index
              %get3A_561 = tpu.vector_load %arg8[%get3A_560] {strides = array<i32>} : memref<20000xf32, #tpu.memory_space<vmem>>, vector<16xf32>,
              %gt3A_562 = vector.broadcast %scan3A_556 : f32 to vector<16xf32>
              %gt3A_563 = arith.cmpf ogt, %get3A_561, %gt3A_562 : vector<16xf32>
              %reduce_or3A_564 = arith.constant 1.000000e+00 : f32
              %reduce_or3A_565 = arith.constant 0.000000e+00 : f32
              %reduce_or3A_566 = vector.broadcast %reduce_or3A_564 : f32 to vector<16xf32>
              %reduce_or3A_567 = vector.broadcast %reduce_or3A_565 : f32 to vector<16xf32>
              %reduce_or3A_568 = arith.select %gt3A_563, %reduce_or3A_566, %reduce_or3A_567 : vector<16xi1>, vector<16xf32>
              %reduce_or3A_569 = arith.constant true
              %reduce_or3A_570 = vector.broadcast %reduce_or3A_569 : i1 to vector<16xi1>
              %reduce_or3A_571 = tpu.scan <max>, %reduce_or3A_568 masked %reduce_or3A_570 : vector<16xf32>, vector<16xi1> -> vector<16xf32>
              %reduce_or3A_572 = vector.extract %reduce_or3A_571[15] : f32 from vector<16xf32>
              %reduce_or3A_573 = arith.constant 0.000000e+00 : f32
              %reduce_or3A_574 = arith.cmpf ogt, %reduce_or3A_572, %reduce_or3A_573 : f32
              %convert_element_type3A_575 = arith.extui %reduce_or3A_574 : i1 to i32
              %cond3A_576 = arith.constant 0 : i32
              %cond3A_577 = arith.cmpi ne, %convert_element_type3A_575, %cond3A_576 : i32
              %cond3A_578:3 = scf.if %cond3A_577 -> (vector<16xf32>, vector<16xf32>, f32) {
                %gt3A_579 = vector.broadcast %scan3A_556 : f32 to vector<16xf32>
                %gt3A_580 = arith.cmpf ogt, %get3A_561, %gt3A_579 : vector<16xf32>
                %jit3A_581 = arith.constant 0xFF800000 : f32
                %broadcast_in_dim3A_582 = vector.broadcast %jit3A_581 : f32 to vector<16xf32>
                %select_n3A_583 = arith.select %gt3A_580, %get3A_561, %broadcast_in_dim3A_582 : vector<16xi1>, vector<16xf32>
                %masked_sort3A = arith.constant dense<true> : vector<16xi1>
                %masked_sort3A_584, %masked_sort3A_585, %masked_sort3A_586 = tpu.sort %select_n3A_583, %select_n3A_583 masked %masked_sort3A {descending = true} : (vector<16xf32>, vector<16xf32>, vector<16xi1>) -> (vector<16xi1>, vector<16xf32>, vector<16xf32>)
                %rev3A = arith.constant 15 : i32
                %rev3A_587 = vector.broadcast %rev3A : i32 to vector<16xi32>
                %rev3A_588 = tpu.iota {dimensions = array<i32: 0>} : vector<16xi32>
                %rev3A_589 = arith.subi %rev3A_587, %rev3A_588 : vector<16xi32>
                %rev3A_590 = tpu.dynamic_gather %masked_sort3A_585[%rev3A_589] in [0] : vector<16xf32>, vector<16xi32> -> vector<16xf32>
                %max3A_591 = arith.maximumf %scan3A_554, %rev3A_590 : vector<16xf32>
                %min3A = arith.minimumf %scan3A_554, %rev3A_590 : vector<16xf32>
                %masked_sort3A_592 = arith.constant dense<true> : vector<16xi1>
                %masked_sort3A_593, %masked_sort3A_594, %masked_sort3A_595 = tpu.sort %max3A_591, %max3A_591 masked %masked_sort3A_592 {descending = true} : (vector<16xf32>, vector<16xf32>, vector<16xi1>) -> (vector<16xi1>, vector<16xf32>, vector<16xf32>)
                %masked_sort3A_596 = arith.constant dense<true> : vector<16xi1>
                %masked_sort3A_597, %masked_sort3A_598, %masked_sort3A_599 = tpu.sort %min3A, %min3A masked %masked_sort3A_596 {descending = true} : (vector<16xf32>, vector<16xf32>, vector<16xi1>) -> (vector<16xi1>, vector<16xf32>, vector<16xf32>)
                %rev3A_600 = arith.constant 15 : i32
                %rev3A_601 = vector.broadcast %rev3A_600 : i32 to vector<16xi32>
                %rev3A_602 = tpu.iota {dimensions = array<i32: 0>} : vector<16xi32>
                %rev3A_603 = arith.subi %rev3A_601, %rev3A_602 : vector<16xi32>
                %rev3A_604 = tpu.dynamic_gather %masked_sort3A_598[%rev3A_603] in [0] : vector<16xf32>, vector<16xi32> -> vector<16xf32>
                %max3A_605 = arith.maximumf %scan3A_555, %rev3A_604 : vector<16xf32>
                %masked_sort3A_606 = arith.constant dense<true> : vector<16xi1>
                %masked_sort3A_607, %masked_sort3A_608, %masked_sort3A_609 = tpu.sort %max3A_605, %max3A_605 masked %masked_sort3A_606 {descending = true} : (vector<16xf32>, vector<16xf32>, vector<16xi1>) -> (vector<16xi1>, vector<16xf32>, vector<16xf32>)
                %iota3A_610 = tpu.iota {dimensions = array<i32: 0>} : vector<16xi32>
                %eq3A_611 = arith.constant 13 : i32
                %eq3A_612 = vector.broadcast %eq3A_611 : i32 to vector<16xi32>
                %eq3A_613 = arith.cmpi eq, %iota3A_610, %eq3A_612 : vector<16xi32>
                %jit3A_614 = arith.constant 0xFF800000 : f32
                %broadcast_in_dim3A_615 = vector.broadcast %jit3A_614 : f32 to vector<16xf32>
                %select_n3A_616 = arith.select %eq3A_613, %masked_sort3A_608, %broadcast_in_dim3A_615 : vector<16xi1>, vector<16xf32>
                %reduce_max3A_617 = arith.constant true
                %reduce_max3A_618 = vector.broadcast %reduce_max3A_617 : i1 to vector<16xi1>
                %reduce_max3A_619 = tpu.scan <max>, %select_n3A_616 masked %reduce_max3A_618 : vector<16xf32>, vector<16xi1> -> vector<16xf32>
                %reduce_max3A_620 = vector.extract %reduce_max3A_619[15] : f32 from vector<16xf32>
                scf.yield %masked_sort3A_594, %masked_sort3A_608, %reduce_max3A_620 : vector<16xf32>, vector<16xf32>, f32
              } else {
                scf.yield %scan3A_554, %scan3A_555, %scan3A_556 : vector<16xf32>, vector<16xf32>, f32
              }
              scf.yield %cond3A_578#0, %cond3A_578#1, %cond3A_578#2 : vector<16xf32>, vector<16xf32>, f32
            }
            %scan3A_552 = arith.constant 50 : i32
            scf.yield %scan3A_551#0, %scan3A_551#1, %scan3A_551#2 : vector<16xf32>, vector<16xf32>, f32
          } else {
            scf.yield %scan3A_165, %scan3A_166, %scan3A_167 : vector<16xf32>, vector<16xf32>, f32
          }
          %reduce_max3A = arith.constant true
          %reduce_max3A_539 = vector.broadcast %reduce_max3A : i1 to vector<16xi1>
          %reduce_max3A_540 = tpu.scan <max>, %max3A_523 masked %reduce_max3A_539 : vector<16xf32>, vector<16xi1> -> vector<16xf32>
          %reduce_max3A_541 = vector.extract %reduce_max3A_540[15] : f32 from vector<16xf32>
          %gt3A_542 = arith.cmpf ogt, %reduce_max3A_541, %scan3A_168 : f32
          %convert_element_type3A_543 = arith.extui %gt3A_542 : i1 to i32
          %cond3A_544 = arith.constant 0 : i32
          %cond3A_545 = arith.cmpi ne, %convert_element_type3A_543, %cond3A_544 : i32
          %cond3A_546:2 = scf.if %cond3A_545 -> (f32, i32) {
            %scan3A_547 = arith.constant 1073741824 : i32
            %scan3A_548 = arith.constant 0 : i32
            %scan3A_549 = arith.constant 50 : i32
            %scan3A_550 = arith.addi %scan3A_548, %scan3A_549 : i32
            %scan3A_551 = arith.constant 1 : i32
            %scan3A_552 = scf.for %scan3A_560 = %scan3A_548 to %scan3A_550 step %scan3A_551 iter_args(%scan3A_561 = %scan3A_547) -> (i32)  : i32 {
              %add3A_562 = arith.addi %mul3A_171, %scan3A_560 : i32
              %mul3A_563 = arith.constant 16 : i32
              %mul3A_564 = arith.muli %add3A_562, %mul3A_563 : i32
              %get3A_565 = arith.index_cast %mul3A_564 : i32 to index
              %get3A_566 = tpu.vector_load %arg8[%get3A_565] {strides = array<i32>} : memref<20000xf32, #tpu.memory_space<vmem>>, vector<16xf32>,
              %eq3A_567 = vector.broadcast %reduce_max3A_541 : f32 to vector<16xf32>
              %eq3A_568 = arith.cmpf oeq, %get3A_566, %eq3A_567 : vector<16xf32>
              %mul3A_569 = arith.constant 16 : i32
              %mul3A_570 = arith.muli %scan3A_560, %mul3A_569 : i32
              %add3A_571 = vector.broadcast %mul3A_570 : i32 to vector<16xi32>
              %add3A_572 = arith.addi %add3A_571, %iota3A : vector<16xi32>
              %jit3A_573 = arith.constant 1073741824 : i32
              %broadcast_in_dim3A_574 = vector.broadcast %jit3A_573 : i32 to vector<16xi32>
              %select_n3A_575 = arith.select %eq3A_568, %add3A_572, %broadcast_in_dim3A_574 : vector<16xi1>, vector<16xi32>
              %reduce_min3A_576 = arith.constant true
              %reduce_min3A_577 = vector.broadcast %reduce_min3A_576 : i1 to vector<16xi1>
              %reduce_min3A_578 = arith.constant -2147483648 : i32
              %reduce_min3A_579 = vector.broadcast %reduce_min3A_578 : i32 to vector<16xi32>
              %reduce_min3A_580 = arith.xori %select_n3A_575, %reduce_min3A_579 : vector<16xi32>
              %reduce_min3A_581 = tpu.scan <min>, %reduce_min3A_580 masked %reduce_min3A_577 : vector<16xi32>, vector<16xi1> -> vector<16xi32>
              %reduce_min3A_582 = arith.xori %reduce_min3A_581, %reduce_min3A_579 : vector<16xi32>
              %reduce_min3A_583 = vector.extract %reduce_min3A_582[15] : i32 from vector<16xi32>
              %min3A = arith.minsi %scan3A_561, %reduce_min3A_583 : i32
              scf.yield %min3A : i32
            }
            %scan3A_553 = arith.constant 50 : i32
            %mul3A_554 = arith.constant 20000 : i32
            %mul3A_555 = arith.muli %scan3A_149, %mul3A_554 : i32
            %mul3A_556 = arith.constant 16 : i32
            %mul3A_557 = arith.muli %mul3A_171, %mul3A_556 : i32
            %add3A_558 = arith.addi %mul3A_555, %mul3A_557 : i32
            %add3A_559 = arith.addi %add3A_558, %scan3A_552 : i32
            scf.yield %reduce_max3A_541, %add3A_559 : f32, i32
          } else {
            scf.yield %scan3A_168, %scan3A_169 : f32, i32
          }
          scf.yield %cond3A_538#0, %cond3A_538#1, %cond3A_538#2, %cond3A_546#0, %cond3A_546#1 : vector<16xf32>, vector<16xf32>, f32, f32, i32
        }
        %scan3A_163 = arith.constant 25 : i32
        scf.yield %scan3A_162#0, %scan3A_162#1, %scan3A_162#2, %scan3A_162#3, %scan3A_162#4 : vector<16xf32>, vector<16xf32>, f32, f32, i32
      }
      %scan3A_30 = arith.constant 5 : i32
      %scan3A_31 = arith.constant 0xFF800000 : f32
      %scan3A_32 = arith.constant 0xFF800000 : f32
      %scan3A_33 = arith.constant 0 : i32
      %scan3A_34 = arith.constant 0 : i32
      %scan3A_35 = arith.constant 5 : i32
      %scan3A_36 = arith.addi %scan3A_34, %scan3A_35 : i32
      %scan3A_37 = arith.constant 1 : i32
      %scan3A_38:2 = scf.for %scan3A_149 = %scan3A_34 to %scan3A_36 step %scan3A_37 iter_args(%scan3A_150 = %scan3A_32, %scan3A_151 = %scan3A_33) -> (f32, i32)  : i32 {
        %mul3A_152 = arith.constant 20000 : i32
        %mul3A_153 = arith.muli %scan3A_149, %mul3A_152 : i32
        %add3A_154 = arith.addi %mul3A_21, %mul3A_153 : i32
        "tpu.region"() ({
          %run_scoped3A = tpu.sem_alloc : memref<!tpu.dma_semaphore, #tpu.memory_space<semaphore_mem>>
          %dma_start3A = tpu.memref_slice %arg3[%add3A_154] : memref<102400000xf32, #tpu.memory_space<hbm>> -> memref<20000xf32, #tpu.memory_space<hbm>>
          %dma_start3A_161 = tpu.memref_slice %arg3[%add3A_154] : memref<102400000xf32, #tpu.memory_space<hbm>> -> memref<20000xf32, #tpu.memory_space<hbm>>
          tpu.enqueue_dma source(%dma_start3A_161 : memref<20000xf32, #tpu.memory_space<hbm>>) target(%arg8 : memref<20000xf32, #tpu.memory_space<vmem>>) target_semaphore(%run_scoped3A : memref<!tpu.dma_semaphore, #tpu.memory_space<semaphore_mem>>)
          %dma_wait3A = tpu.memref_slice %arg3[%add3A_154] : memref<102400000xf32, #tpu.memory_space<hbm>> -> memref<20000xf32, #tpu.memory_space<hbm>>
          %dma_wait3A_162 = tpu.memref_slice %arg3[%add3A_154] : memref<102400000xf32, #tpu.memory_space<hbm>> -> memref<20000xf32, #tpu.memory_space<hbm>>
          tpu.wait_dma2 semaphore(%run_scoped3A : memref<!tpu.dma_semaphore, #tpu.memory_space<semaphore_mem>>) src(%dma_wait3A_162 : memref<20000xf32, #tpu.memory_space<hbm>>) dst(%arg8 : memref<20000xf32, #tpu.memory_space<vmem>>)
          tpu.yield
        }) : () -> ()
        %scan3A_155 = arith.constant 0 : i32
        %scan3A_156 = arith.constant 25 : i32
        %scan3A_157 = arith.addi %scan3A_155, %scan3A_156 : i32
        %scan3A_158 = arith.constant 1 : i32
        %scan3A_159:2 = scf.for %scan3A_161 = %scan3A_155 to %scan3A_157 step %scan3A_158 iter_args(%scan3A_162 = %scan3A_150, %scan3A_163 = %scan3A_151) -> (f32, i32)  : i32 {
          %mul3A_164 = arith.constant 50 : i32
          %mul3A_165 = arith.muli %scan3A_161, %mul3A_164 : i32
          %add3A_166 = arith.constant 0 : i32
          %add3A_167 = arith.addi %mul3A_165, %add3A_166 : i32
          %mul3A_168 = arith.constant 16 : i32
          %mul3A_169 = arith.muli %add3A_167, %mul3A_168 : i32
          %get3A_170 = arith.index_cast %mul3A_169 : i32 to index
          %get3A_171 = tpu.vector_load %arg8[%get3A_170] {strides = array<i32>} : memref<20000xf32, #tpu.memory_space<vmem>>, vector<16xf32>,
          %max3A = arith.maximumf %broadcast_in_dim3A_3, %get3A_171 : vector<16xf32>
          %add3A_172 = arith.constant 1 : i32
          %add3A_173 = arith.addi %mul3A_165, %add3A_172 : i32
          %mul3A_174 = arith.constant 16 : i32
          %mul3A_175 = arith.muli %add3A_173, %mul3A_174 : i32
          %get3A_176 = arith.index_cast %mul3A_175 : i32 to index
          %get3A_177 = tpu.vector_load %arg8[%get3A_176] {strides = array<i32>} : memref<20000xf32, #tpu.memory_space<vmem>>, vector<16xf32>,
          %max3A_178 = arith.maximumf %broadcast_in_dim3A_3, %get3A_177 : vector<16xf32>
          %add3A_179 = arith.constant 2 : i32
          %add3A_180 = arith.addi %mul3A_165, %add3A_179 : i32
          %mul3A_181 = arith.constant 16 : i32
          %mul3A_182 = arith.muli %add3A_180, %mul3A_181 : i32
          %get3A_183 = arith.index_cast %mul3A_182 : i32 to index
          %get3A_184 = tpu.vector_load %arg8[%get3A_183] {strides = array<i32>} : memref<20000xf32, #tpu.memory_space<vmem>>, vector<16xf32>,
          %max3A_185 = arith.maximumf %broadcast_in_dim3A_3, %get3A_184 : vector<16xf32>
          %add3A_186 = arith.constant 3 : i32
          %add3A_187 = arith.addi %mul3A_165, %add3A_186 : i32
          %mul3A_188 = arith.constant 16 : i32
          %mul3A_189 = arith.muli %add3A_187, %mul3A_188 : i32
          %get3A_190 = arith.index_cast %mul3A_189 : i32 to index
          %get3A_191 = tpu.vector_load %arg8[%get3A_190] {strides = array<i32>} : memref<20000xf32, #tpu.memory_space<vmem>>, vector<16xf32>,
          %max3A_192 = arith.maximumf %broadcast_in_dim3A_3, %get3A_191 : vector<16xf32>
          %add3A_193 = arith.constant 4 : i32
          %add3A_194 = arith.addi %mul3A_165, %add3A_193 : i32
          %mul3A_195 = arith.constant 16 : i32
          %mul3A_196 = arith.muli %add3A_194, %mul3A_195 : i32
          %get3A_197 = arith.index_cast %mul3A_196 : i32 to index
          %get3A_198 = tpu.vector_load %arg8[%get3A_197] {strides = array<i32>} : memref<20000xf32, #tpu.memory_space<vmem>>, vector<16xf32>,
          %max3A_199 = arith.maximumf %max3A, %get3A_198 : vector<16xf32>
          %add3A_200 = arith.constant 5 : i32
          %add3A_201 = arith.addi %mul3A_165, %add3A_200 : i32
          %mul3A_202 = arith.constant 16 : i32
          %mul3A_203 = arith.muli %add3A_201, %mul3A_202 : i32
          %get3A_204 = arith.index_cast %mul3A_203 : i32 to index
          %get3A_205 = tpu.vector_load %arg8[%get3A_204] {strides = array<i32>} : memref<20000xf32, #tpu.memory_space<vmem>>, vector<16xf32>,
          %max3A_206 = arith.maximumf %max3A_178, %get3A_205 : vector<16xf32>
          %add3A_207 = arith.constant 6 : i32
          %add3A_208 = arith.addi %mul3A_165, %add3A_207 : i32
          %mul3A_209 = arith.constant 16 : i32
          %mul3A_210 = arith.muli %add3A_208, %mul3A_209 : i32
          %get3A_211 = arith.index_cast %mul3A_210 : i32 to index
          %get3A_212 = tpu.vector_load %arg8[%get3A_211] {strides = array<i32>} : memref<20000xf32, #tpu.memory_space<vmem>>, vector<16xf32>,
          %max3A_213 = arith.maximumf %max3A_185, %get3A_212 : vector<16xf32>
          %add3A_214 = arith.constant 7 : i32
          %add3A_215 = arith.addi %mul3A_165, %add3A_214 : i32
          %mul3A_216 = arith.constant 16 : i32
          %mul3A_217 = arith.muli %add3A_215, %mul3A_216 : i32
          %get3A_218 = arith.index_cast %mul3A_217 : i32 to index
          %get3A_219 = tpu.vector_load %arg8[%get3A_218] {strides = array<i32>} : memref<20000xf32, #tpu.memory_space<vmem>>, vector<16xf32>,
          %max3A_220 = arith.maximumf %max3A_192, %get3A_219 : vector<16xf32>
          %add3A_221 = arith.constant 8 : i32
          %add3A_222 = arith.addi %mul3A_165, %add3A_221 : i32
          %mul3A_223 = arith.constant 16 : i32
          %mul3A_224 = arith.muli %add3A_222, %mul3A_223 : i32
          %get3A_225 = arith.index_cast %mul3A_224 : i32 to index
          %get3A_226 = tpu.vector_load %arg8[%get3A_225] {strides = array<i32>} : memref<20000xf32, #tpu.memory_space<vmem>>, vector<16xf32>,
          %max3A_227 = arith.maximumf %max3A_199, %get3A_226 : vector<16xf32>
          %add3A_228 = arith.constant 9 : i32
          %add3A_229 = arith.addi %mul3A_165, %add3A_228 : i32
          %mul3A_230 = arith.constant 16 : i32
          %mul3A_231 = arith.muli %add3A_229, %mul3A_230 : i32
          %get3A_232 = arith.index_cast %mul3A_231 : i32 to index
          %get3A_233 = tpu.vector_load %arg8[%get3A_232] {strides = array<i32>} : memref<20000xf32, #tpu.memory_space<vmem>>, vector<16xf32>,
          %max3A_234 = arith.maximumf %max3A_206, %get3A_233 : vector<16xf32>
          %add3A_235 = arith.constant 10 : i32
          %add3A_236 = arith.addi %mul3A_165, %add3A_235 : i32
          %mul3A_237 = arith.constant 16 : i32
          %mul3A_238 = arith.muli %add3A_236, %mul3A_237 : i32
          %get3A_239 = arith.index_cast %mul3A_238 : i32 to index
          %get3A_240 = tpu.vector_load %arg8[%get3A_239] {strides = array<i32>} : memref<20000xf32, #tpu.memory_space<vmem>>, vector<16xf32>,
          %max3A_241 = arith.maximumf %max3A_213, %get3A_240 : vector<16xf32>
          %add3A_242 = arith.constant 11 : i32
          %add3A_243 = arith.addi %mul3A_165, %add3A_242 : i32
          %mul3A_244 = arith.constant 16 : i32
          %mul3A_245 = arith.muli %add3A_243, %mul3A_244 : i32
          %get3A_246 = arith.index_cast %mul3A_245 : i32 to index
          %get3A_247 = tpu.vector_load %arg8[%get3A_246] {strides = array<i32>} : memref<20000xf32, #tpu.memory_space<vmem>>, vector<16xf32>,
          %max3A_248 = arith.maximumf %max3A_220, %get3A_247 : vector<16xf32>
          %add3A_249 = arith.constant 12 : i32
          %add3A_250 = arith.addi %mul3A_165, %add3A_249 : i32
          %mul3A_251 = arith.constant 16 : i32
          %mul3A_252 = arith.muli %add3A_250, %mul3A_251 : i32
          %get3A_253 = arith.index_cast %mul3A_252 : i32 to index
          %get3A_254 = tpu.vector_load %arg8[%get3A_253] {strides = array<i32>} : memref<20000xf32, #tpu.memory_space<vmem>>, vector<16xf32>,
          %max3A_255 = arith.maximumf %max3A_227, %get3A_254 : vector<16xf32>
          %add3A_256 = arith.constant 13 : i32
          %add3A_257 = arith.addi %mul3A_165, %add3A_256 : i32
          %mul3A_258 = arith.constant 16 : i32
          %mul3A_259 = arith.muli %add3A_257, %mul3A_258 : i32
          %get3A_260 = arith.index_cast %mul3A_259 : i32 to index
          %get3A_261 = tpu.vector_load %arg8[%get3A_260] {strides = array<i32>} : memref<20000xf32, #tpu.memory_space<vmem>>, vector<16xf32>,
          %max3A_262 = arith.maximumf %max3A_234, %get3A_261 : vector<16xf32>
          %add3A_263 = arith.constant 14 : i32
          %add3A_264 = arith.addi %mul3A_165, %add3A_263 : i32
          %mul3A_265 = arith.constant 16 : i32
          %mul3A_266 = arith.muli %add3A_264, %mul3A_265 : i32
          %get3A_267 = arith.index_cast %mul3A_266 : i32 to index
          %get3A_268 = tpu.vector_load %arg8[%get3A_267] {strides = array<i32>} : memref<20000xf32, #tpu.memory_space<vmem>>, vector<16xf32>,
          %max3A_269 = arith.maximumf %max3A_241, %get3A_268 : vector<16xf32>
          %add3A_270 = arith.constant 15 : i32
          %add3A_271 = arith.addi %mul3A_165, %add3A_270 : i32
          %mul3A_272 = arith.constant 16 : i32
          %mul3A_273 = arith.muli %add3A_271, %mul3A_272 : i32
          %get3A_274 = arith.index_cast %mul3A_273 : i32 to index
          %get3A_275 = tpu.vector_load %arg8[%get3A_274] {strides = array<i32>} : memref<20000xf32, #tpu.memory_space<vmem>>, vector<16xf32>,
          %max3A_276 = arith.maximumf %max3A_248, %get3A_275 : vector<16xf32>
          %add3A_277 = arith.constant 16 : i32
          %add3A_278 = arith.addi %mul3A_165, %add3A_277 : i32
          %mul3A_279 = arith.constant 16 : i32
          %mul3A_280 = arith.muli %add3A_278, %mul3A_279 : i32
          %get3A_281 = arith.index_cast %mul3A_280 : i32 to index
          %get3A_282 = tpu.vector_load %arg8[%get3A_281] {strides = array<i32>} : memref<20000xf32, #tpu.memory_space<vmem>>, vector<16xf32>,
          %max3A_283 = arith.maximumf %max3A_255, %get3A_282 : vector<16xf32>
          %add3A_284 = arith.constant 17 : i32
          %add3A_285 = arith.addi %mul3A_165, %add3A_284 : i32
          %mul3A_286 = arith.constant 16 : i32
          %mul3A_287 = arith.muli %add3A_285, %mul3A_286 : i32
          %get3A_288 = arith.index_cast %mul3A_287 : i32 to index
          %get3A_289 = tpu.vector_load %arg8[%get3A_288] {strides = array<i32>} : memref<20000xf32, #tpu.memory_space<vmem>>, vector<16xf32>,
          %max3A_290 = arith.maximumf %max3A_262, %get3A_289 : vector<16xf32>
          %add3A_291 = arith.constant 18 : i32
          %add3A_292 = arith.addi %mul3A_165, %add3A_291 : i32
          %mul3A_293 = arith.constant 16 : i32
          %mul3A_294 = arith.muli %add3A_292, %mul3A_293 : i32
          %get3A_295 = arith.index_cast %mul3A_294 : i32 to index
          %get3A_296 = tpu.vector_load %arg8[%get3A_295] {strides = array<i32>} : memref<20000xf32, #tpu.memory_space<vmem>>, vector<16xf32>,
          %max3A_297 = arith.maximumf %max3A_269, %get3A_296 : vector<16xf32>
          %add3A_298 = arith.constant 19 : i32
          %add3A_299 = arith.addi %mul3A_165, %add3A_298 : i32
          %mul3A_300 = arith.constant 16 : i32
          %mul3A_301 = arith.muli %add3A_299, %mul3A_300 : i32
          %get3A_302 = arith.index_cast %mul3A_301 : i32 to index
          %get3A_303 = tpu.vector_load %arg8[%get3A_302] {strides = array<i32>} : memref<20000xf32, #tpu.memory_space<vmem>>, vector<16xf32>,
          %max3A_304 = arith.maximumf %max3A_276, %get3A_303 : vector<16xf32>
          %add3A_305 = arith.constant 20 : i32
          %add3A_306 = arith.addi %mul3A_165, %add3A_305 : i32
          %mul3A_307 = arith.constant 16 : i32
          %mul3A_308 = arith.muli %add3A_306, %mul3A_307 : i32
          %get3A_309 = arith.index_cast %mul3A_308 : i32 to index
          %get3A_310 = tpu.vector_load %arg8[%get3A_309] {strides = array<i32>} : memref<20000xf32, #tpu.memory_space<vmem>>, vector<16xf32>,
          %max3A_311 = arith.maximumf %max3A_283, %get3A_310 : vector<16xf32>
          %add3A_312 = arith.constant 21 : i32
          %add3A_313 = arith.addi %mul3A_165, %add3A_312 : i32
          %mul3A_314 = arith.constant 16 : i32
          %mul3A_315 = arith.muli %add3A_313, %mul3A_314 : i32
          %get3A_316 = arith.index_cast %mul3A_315 : i32 to index
          %get3A_317 = tpu.vector_load %arg8[%get3A_316] {strides = array<i32>} : memref<20000xf32, #tpu.memory_space<vmem>>, vector<16xf32>,
          %max3A_318 = arith.maximumf %max3A_290, %get3A_317 : vector<16xf32>
          %add3A_319 = arith.constant 22 : i32
          %add3A_320 = arith.addi %mul3A_165, %add3A_319 : i32
          %mul3A_321 = arith.constant 16 : i32
          %mul3A_322 = arith.muli %add3A_320, %mul3A_321 : i32
          %get3A_323 = arith.index_cast %mul3A_322 : i32 to index
          %get3A_324 = tpu.vector_load %arg8[%get3A_323] {strides = array<i32>} : memref<20000xf32, #tpu.memory_space<vmem>>, vector<16xf32>,
          %max3A_325 = arith.maximumf %max3A_297, %get3A_324 : vector<16xf32>
          %add3A_326 = arith.constant 23 : i32
          %add3A_327 = arith.addi %mul3A_165, %add3A_326 : i32
          %mul3A_328 = arith.constant 16 : i32
          %mul3A_329 = arith.muli %add3A_327, %mul3A_328 : i32
          %get3A_330 = arith.index_cast %mul3A_329 : i32 to index
          %get3A_331 = tpu.vector_load %arg8[%get3A_330] {strides = array<i32>} : memref<20000xf32, #tpu.memory_space<vmem>>, vector<16xf32>,
          %max3A_332 = arith.maximumf %max3A_304, %get3A_331 : vector<16xf32>
          %add3A_333 = arith.constant 24 : i32
          %add3A_334 = arith.addi %mul3A_165, %add3A_333 : i32
          %mul3A_335 = arith.constant 16 : i32
          %mul3A_336 = arith.muli %add3A_334, %mul3A_335 : i32
          %get3A_337 = arith.index_cast %mul3A_336 : i32 to index
          %get3A_338 = tpu.vector_load %arg8[%get3A_337] {strides = array<i32>} : memref<20000xf32, #tpu.memory_space<vmem>>, vector<16xf32>,
          %max3A_339 = arith.maximumf %max3A_311, %get3A_338 : vector<16xf32>
          %add3A_340 = arith.constant 25 : i32
          %add3A_341 = arith.addi %mul3A_165, %add3A_340 : i32
          %mul3A_342 = arith.constant 16 : i32
          %mul3A_343 = arith.muli %add3A_341, %mul3A_342 : i32
          %get3A_344 = arith.index_cast %mul3A_343 : i32 to index
          %get3A_345 = tpu.vector_load %arg8[%get3A_344] {strides = array<i32>} : memref<20000xf32, #tpu.memory_space<vmem>>, vector<16xf32>,
          %max3A_346 = arith.maximumf %max3A_318, %get3A_345 : vector<16xf32>
          %add3A_347 = arith.constant 26 : i32
          %add3A_348 = arith.addi %mul3A_165, %add3A_347 : i32
          %mul3A_349 = arith.constant 16 : i32
          %mul3A_350 = arith.muli %add3A_348, %mul3A_349 : i32
          %get3A_351 = arith.index_cast %mul3A_350 : i32 to index
          %get3A_352 = tpu.vector_load %arg8[%get3A_351] {strides = array<i32>} : memref<20000xf32, #tpu.memory_space<vmem>>, vector<16xf32>,
          %max3A_353 = arith.maximumf %max3A_325, %get3A_352 : vector<16xf32>
          %add3A_354 = arith.constant 27 : i32
          %add3A_355 = arith.addi %mul3A_165, %add3A_354 : i32
          %mul3A_356 = arith.constant 16 : i32
          %mul3A_357 = arith.muli %add3A_355, %mul3A_356 : i32
          %get3A_358 = arith.index_cast %mul3A_357 : i32 to index
          %get3A_359 = tpu.vector_load %arg8[%get3A_358] {strides = array<i32>} : memref<20000xf32, #tpu.memory_space<vmem>>, vector<16xf32>,
          %max3A_360 = arith.maximumf %max3A_332, %get3A_359 : vector<16xf32>
          %add3A_361 = arith.constant 28 : i32
          %add3A_362 = arith.addi %mul3A_165, %add3A_361 : i32
          %mul3A_363 = arith.constant 16 : i32
          %mul3A_364 = arith.muli %add3A_362, %mul3A_363 : i32
          %get3A_365 = arith.index_cast %mul3A_364 : i32 to index
          %get3A_366 = tpu.vector_load %arg8[%get3A_365] {strides = array<i32>} : memref<20000xf32, #tpu.memory_space<vmem>>, vector<16xf32>,
          %max3A_367 = arith.maximumf %max3A_339, %get3A_366 : vector<16xf32>
          %add3A_368 = arith.constant 29 : i32
          %add3A_369 = arith.addi %mul3A_165, %add3A_368 : i32
          %mul3A_370 = arith.constant 16 : i32
          %mul3A_371 = arith.muli %add3A_369, %mul3A_370 : i32
          %get3A_372 = arith.index_cast %mul3A_371 : i32 to index
          %get3A_373 = tpu.vector_load %arg8[%get3A_372] {strides = array<i32>} : memref<20000xf32, #tpu.memory_space<vmem>>, vector<16xf32>,
          %max3A_374 = arith.maximumf %max3A_346, %get3A_373 : vector<16xf32>
          %add3A_375 = arith.constant 30 : i32
          %add3A_376 = arith.addi %mul3A_165, %add3A_375 : i32
          %mul3A_377 = arith.constant 16 : i32
          %mul3A_378 = arith.muli %add3A_376, %mul3A_377 : i32
          %get3A_379 = arith.index_cast %mul3A_378 : i32 to index
          %get3A_380 = tpu.vector_load %arg8[%get3A_379] {strides = array<i32>} : memref<20000xf32, #tpu.memory_space<vmem>>, vector<16xf32>,
          %max3A_381 = arith.maximumf %max3A_353, %get3A_380 : vector<16xf32>
          %add3A_382 = arith.constant 31 : i32
          %add3A_383 = arith.addi %mul3A_165, %add3A_382 : i32
          %mul3A_384 = arith.constant 16 : i32
          %mul3A_385 = arith.muli %add3A_383, %mul3A_384 : i32
          %get3A_386 = arith.index_cast %mul3A_385 : i32 to index
          %get3A_387 = tpu.vector_load %arg8[%get3A_386] {strides = array<i32>} : memref<20000xf32, #tpu.memory_space<vmem>>, vector<16xf32>,
          %max3A_388 = arith.maximumf %max3A_360, %get3A_387 : vector<16xf32>
          %add3A_389 = arith.constant 32 : i32
          %add3A_390 = arith.addi %mul3A_165, %add3A_389 : i32
          %mul3A_391 = arith.constant 16 : i32
          %mul3A_392 = arith.muli %add3A_390, %mul3A_391 : i32
          %get3A_393 = arith.index_cast %mul3A_392 : i32 to index
          %get3A_394 = tpu.vector_load %arg8[%get3A_393] {strides = array<i32>} : memref<20000xf32, #tpu.memory_space<vmem>>, vector<16xf32>,
          %max3A_395 = arith.maximumf %max3A_367, %get3A_394 : vector<16xf32>
          %add3A_396 = arith.constant 33 : i32
          %add3A_397 = arith.addi %mul3A_165, %add3A_396 : i32
          %mul3A_398 = arith.constant 16 : i32
          %mul3A_399 = arith.muli %add3A_397, %mul3A_398 : i32
          %get3A_400 = arith.index_cast %mul3A_399 : i32 to index
          %get3A_401 = tpu.vector_load %arg8[%get3A_400] {strides = array<i32>} : memref<20000xf32, #tpu.memory_space<vmem>>, vector<16xf32>,
          %max3A_402 = arith.maximumf %max3A_374, %get3A_401 : vector<16xf32>
          %add3A_403 = arith.constant 34 : i32
          %add3A_404 = arith.addi %mul3A_165, %add3A_403 : i32
          %mul3A_405 = arith.constant 16 : i32
          %mul3A_406 = arith.muli %add3A_404, %mul3A_405 : i32
          %get3A_407 = arith.index_cast %mul3A_406 : i32 to index
          %get3A_408 = tpu.vector_load %arg8[%get3A_407] {strides = array<i32>} : memref<20000xf32, #tpu.memory_space<vmem>>, vector<16xf32>,
          %max3A_409 = arith.maximumf %max3A_381, %get3A_408 : vector<16xf32>
          %add3A_410 = arith.constant 35 : i32
          %add3A_411 = arith.addi %mul3A_165, %add3A_410 : i32
          %mul3A_412 = arith.constant 16 : i32
          %mul3A_413 = arith.muli %add3A_411, %mul3A_412 : i32
          %get3A_414 = arith.index_cast %mul3A_413 : i32 to index
          %get3A_415 = tpu.vector_load %arg8[%get3A_414] {strides = array<i32>} : memref<20000xf32, #tpu.memory_space<vmem>>, vector<16xf32>,
          %max3A_416 = arith.maximumf %max3A_388, %get3A_415 : vector<16xf32>
          %add3A_417 = arith.constant 36 : i32
          %add3A_418 = arith.addi %mul3A_165, %add3A_417 : i32
          %mul3A_419 = arith.constant 16 : i32
          %mul3A_420 = arith.muli %add3A_418, %mul3A_419 : i32
          %get3A_421 = arith.index_cast %mul3A_420 : i32 to index
          %get3A_422 = tpu.vector_load %arg8[%get3A_421] {strides = array<i32>} : memref<20000xf32, #tpu.memory_space<vmem>>, vector<16xf32>,
          %max3A_423 = arith.maximumf %max3A_395, %get3A_422 : vector<16xf32>
          %add3A_424 = arith.constant 37 : i32
          %add3A_425 = arith.addi %mul3A_165, %add3A_424 : i32
          %mul3A_426 = arith.constant 16 : i32
          %mul3A_427 = arith.muli %add3A_425, %mul3A_426 : i32
          %get3A_428 = arith.index_cast %mul3A_427 : i32 to index
          %get3A_429 = tpu.vector_load %arg8[%get3A_428] {strides = array<i32>} : memref<20000xf32, #tpu.memory_space<vmem>>, vector<16xf32>,
          %max3A_430 = arith.maximumf %max3A_402, %get3A_429 : vector<16xf32>
          %add3A_431 = arith.constant 38 : i32
          %add3A_432 = arith.addi %mul3A_165, %add3A_431 : i32
          %mul3A_433 = arith.constant 16 : i32
          %mul3A_434 = arith.muli %add3A_432, %mul3A_433 : i32
          %get3A_435 = arith.index_cast %mul3A_434 : i32 to index
          %get3A_436 = tpu.vector_load %arg8[%get3A_435] {strides = array<i32>} : memref<20000xf32, #tpu.memory_space<vmem>>, vector<16xf32>,
          %max3A_437 = arith.maximumf %max3A_409, %get3A_436 : vector<16xf32>
          %add3A_438 = arith.constant 39 : i32
          %add3A_439 = arith.addi %mul3A_165, %add3A_438 : i32
          %mul3A_440 = arith.constant 16 : i32
          %mul3A_441 = arith.muli %add3A_439, %mul3A_440 : i32
          %get3A_442 = arith.index_cast %mul3A_441 : i32 to index
          %get3A_443 = tpu.vector_load %arg8[%get3A_442] {strides = array<i32>} : memref<20000xf32, #tpu.memory_space<vmem>>, vector<16xf32>,
          %max3A_444 = arith.maximumf %max3A_416, %get3A_443 : vector<16xf32>
          %add3A_445 = arith.constant 40 : i32
          %add3A_446 = arith.addi %mul3A_165, %add3A_445 : i32
          %mul3A_447 = arith.constant 16 : i32
          %mul3A_448 = arith.muli %add3A_446, %mul3A_447 : i32
          %get3A_449 = arith.index_cast %mul3A_448 : i32 to index
          %get3A_450 = tpu.vector_load %arg8[%get3A_449] {strides = array<i32>} : memref<20000xf32, #tpu.memory_space<vmem>>, vector<16xf32>,
          %max3A_451 = arith.maximumf %max3A_423, %get3A_450 : vector<16xf32>
          %add3A_452 = arith.constant 41 : i32
          %add3A_453 = arith.addi %mul3A_165, %add3A_452 : i32
          %mul3A_454 = arith.constant 16 : i32
          %mul3A_455 = arith.muli %add3A_453, %mul3A_454 : i32
          %get3A_456 = arith.index_cast %mul3A_455 : i32 to index
          %get3A_457 = tpu.vector_load %arg8[%get3A_456] {strides = array<i32>} : memref<20000xf32, #tpu.memory_space<vmem>>, vector<16xf32>,
          %max3A_458 = arith.maximumf %max3A_430, %get3A_457 : vector<16xf32>
          %add3A_459 = arith.constant 42 : i32
          %add3A_460 = arith.addi %mul3A_165, %add3A_459 : i32
          %mul3A_461 = arith.constant 16 : i32
          %mul3A_462 = arith.muli %add3A_460, %mul3A_461 : i32
          %get3A_463 = arith.index_cast %mul3A_462 : i32 to index
          %get3A_464 = tpu.vector_load %arg8[%get3A_463] {strides = array<i32>} : memref<20000xf32, #tpu.memory_space<vmem>>, vector<16xf32>,
          %max3A_465 = arith.maximumf %max3A_437, %get3A_464 : vector<16xf32>
          %add3A_466 = arith.constant 43 : i32
          %add3A_467 = arith.addi %mul3A_165, %add3A_466 : i32
          %mul3A_468 = arith.constant 16 : i32
          %mul3A_469 = arith.muli %add3A_467, %mul3A_468 : i32
          %get3A_470 = arith.index_cast %mul3A_469 : i32 to index
          %get3A_471 = tpu.vector_load %arg8[%get3A_470] {strides = array<i32>} : memref<20000xf32, #tpu.memory_space<vmem>>, vector<16xf32>,
          %max3A_472 = arith.maximumf %max3A_444, %get3A_471 : vector<16xf32>
          %add3A_473 = arith.constant 44 : i32
          %add3A_474 = arith.addi %mul3A_165, %add3A_473 : i32
          %mul3A_475 = arith.constant 16 : i32
          %mul3A_476 = arith.muli %add3A_474, %mul3A_475 : i32
          %get3A_477 = arith.index_cast %mul3A_476 : i32 to index
          %get3A_478 = tpu.vector_load %arg8[%get3A_477] {strides = array<i32>} : memref<20000xf32, #tpu.memory_space<vmem>>, vector<16xf32>,
          %max3A_479 = arith.maximumf %max3A_451, %get3A_478 : vector<16xf32>
          %add3A_480 = arith.constant 45 : i32
          %add3A_481 = arith.addi %mul3A_165, %add3A_480 : i32
          %mul3A_482 = arith.constant 16 : i32
          %mul3A_483 = arith.muli %add3A_481, %mul3A_482 : i32
          %get3A_484 = arith.index_cast %mul3A_483 : i32 to index
          %get3A_485 = tpu.vector_load %arg8[%get3A_484] {strides = array<i32>} : memref<20000xf32, #tpu.memory_space<vmem>>, vector<16xf32>,
          %max3A_486 = arith.maximumf %max3A_458, %get3A_485 : vector<16xf32>
          %add3A_487 = arith.constant 46 : i32
          %add3A_488 = arith.addi %mul3A_165, %add3A_487 : i32
          %mul3A_489 = arith.constant 16 : i32
          %mul3A_490 = arith.muli %add3A_488, %mul3A_489 : i32
          %get3A_491 = arith.index_cast %mul3A_490 : i32 to index
          %get3A_492 = tpu.vector_load %arg8[%get3A_491] {strides = array<i32>} : memref<20000xf32, #tpu.memory_space<vmem>>, vector<16xf32>,
          %max3A_493 = arith.maximumf %max3A_465, %get3A_492 : vector<16xf32>
          %add3A_494 = arith.constant 47 : i32
          %add3A_495 = arith.addi %mul3A_165, %add3A_494 : i32
          %mul3A_496 = arith.constant 16 : i32
          %mul3A_497 = arith.muli %add3A_495, %mul3A_496 : i32
          %get3A_498 = arith.index_cast %mul3A_497 : i32 to index
          %get3A_499 = tpu.vector_load %arg8[%get3A_498] {strides = array<i32>} : memref<20000xf32, #tpu.memory_space<vmem>>, vector<16xf32>,
          %max3A_500 = arith.maximumf %max3A_472, %get3A_499 : vector<16xf32>
          %add3A_501 = arith.constant 48 : i32
          %add3A_502 = arith.addi %mul3A_165, %add3A_501 : i32
          %mul3A_503 = arith.constant 16 : i32
          %mul3A_504 = arith.muli %add3A_502, %mul3A_503 : i32
          %get3A_505 = arith.index_cast %mul3A_504 : i32 to index
          %get3A_506 = tpu.vector_load %arg8[%get3A_505] {strides = array<i32>} : memref<20000xf32, #tpu.memory_space<vmem>>, vector<16xf32>,
          %max3A_507 = arith.maximumf %max3A_479, %get3A_506 : vector<16xf32>
          %add3A_508 = arith.constant 49 : i32
          %add3A_509 = arith.addi %mul3A_165, %add3A_508 : i32
          %mul3A_510 = arith.constant 16 : i32
          %mul3A_511 = arith.muli %add3A_509, %mul3A_510 : i32
          %get3A_512 = arith.index_cast %mul3A_511 : i32 to index
          %get3A_513 = tpu.vector_load %arg8[%get3A_512] {strides = array<i32>} : memref<20000xf32, #tpu.memory_space<vmem>>, vector<16xf32>,
          %max3A_514 = arith.maximumf %max3A_486, %get3A_513 : vector<16xf32>
          %max3A_515 = arith.maximumf %max3A_507, %max3A_514 : vector<16xf32>
          %max3A_516 = arith.maximumf %max3A_493, %max3A_500 : vector<16xf32>
          %max3A_517 = arith.maximumf %max3A_515, %max3A_516 : vector<16xf32>
          %reduce_max3A = arith.constant true
          %reduce_max3A_518 = vector.broadcast %reduce_max3A : i1 to vector<16xi1>
          %reduce_max3A_519 = tpu.scan <max>, %max3A_517 masked %reduce_max3A_518 : vector<16xf32>, vector<16xi1> -> vector<16xf32>
          %reduce_max3A_520 = vector.extract %reduce_max3A_519[15] : f32 from vector<16xf32>
          %gt3A = arith.cmpf ogt, %reduce_max3A_520, %scan3A_162 : f32
          %convert_element_type3A_521 = arith.extui %gt3A : i1 to i32
          %cond3A_522 = arith.constant 0 : i32
          %cond3A_523 = arith.cmpi ne, %convert_element_type3A_521, %cond3A_522 : i32
          %cond3A_524:2 = scf.if %cond3A_523 -> (f32, i32) {
            %scan3A_525 = arith.constant 1073741824 : i32
            %scan3A_526 = arith.constant 0 : i32
            %scan3A_527 = arith.constant 50 : i32
            %scan3A_528 = arith.addi %scan3A_526, %scan3A_527 : i32
            %scan3A_529 = arith.constant 1 : i32
            %scan3A_530 = scf.for %scan3A_538 = %scan3A_526 to %scan3A_528 step %scan3A_529 iter_args(%scan3A_539 = %scan3A_525) -> (i32)  : i32 {
              %add3A_540 = arith.addi %mul3A_165, %scan3A_538 : i32
              %mul3A_541 = arith.constant 16 : i32
              %mul3A_542 = arith.muli %add3A_540, %mul3A_541 : i32
              %get3A_543 = arith.index_cast %mul3A_542 : i32 to index
              %get3A_544 = tpu.vector_load %arg8[%get3A_543] {strides = array<i32>} : memref<20000xf32, #tpu.memory_space<vmem>>, vector<16xf32>,
              %eq3A_545 = vector.broadcast %reduce_max3A_520 : f32 to vector<16xf32>
              %eq3A_546 = arith.cmpf oeq, %get3A_544, %eq3A_545 : vector<16xf32>
              %mul3A_547 = arith.constant 16 : i32
              %mul3A_548 = arith.muli %scan3A_538, %mul3A_547 : i32
              %add3A_549 = vector.broadcast %mul3A_548 : i32 to vector<16xi32>
              %add3A_550 = arith.addi %add3A_549, %iota3A : vector<16xi32>
              %jit3A_551 = arith.constant 1073741824 : i32
              %broadcast_in_dim3A_552 = vector.broadcast %jit3A_551 : i32 to vector<16xi32>
              %select_n3A_553 = arith.select %eq3A_546, %add3A_550, %broadcast_in_dim3A_552 : vector<16xi1>, vector<16xi32>
              %reduce_min3A_554 = arith.constant true
              %reduce_min3A_555 = vector.broadcast %reduce_min3A_554 : i1 to vector<16xi1>
              %reduce_min3A_556 = arith.constant -2147483648 : i32
              %reduce_min3A_557 = vector.broadcast %reduce_min3A_556 : i32 to vector<16xi32>
              %reduce_min3A_558 = arith.xori %select_n3A_553, %reduce_min3A_557 : vector<16xi32>
              %reduce_min3A_559 = tpu.scan <min>, %reduce_min3A_558 masked %reduce_min3A_555 : vector<16xi32>, vector<16xi1> -> vector<16xi32>
              %reduce_min3A_560 = arith.xori %reduce_min3A_559, %reduce_min3A_557 : vector<16xi32>
              %reduce_min3A_561 = vector.extract %reduce_min3A_560[15] : i32 from vector<16xi32>
              %min3A = arith.minsi %scan3A_539, %reduce_min3A_561 : i32
              scf.yield %min3A : i32
            }
            %scan3A_531 = arith.constant 50 : i32
            %mul3A_532 = arith.constant 20000 : i32
            %mul3A_533 = arith.muli %scan3A_149, %mul3A_532 : i32
            %mul3A_534 = arith.constant 16 : i32
            %mul3A_535 = arith.muli %mul3A_165, %mul3A_534 : i32
            %add3A_536 = arith.addi %mul3A_533, %mul3A_535 : i32
            %add3A_537 = arith.addi %add3A_536, %scan3A_530 : i32
            scf.yield %reduce_max3A_520, %add3A_537 : f32, i32
          } else {
            scf.yield %scan3A_162, %scan3A_163 : f32, i32
          }
          scf.yield %cond3A_524#0, %cond3A_524#1 : f32, i32
        }
        %scan3A_160 = arith.constant 25 : i32
        scf.yield %scan3A_159#0, %scan3A_159#1 : f32, i32
      }
      %scan3A_39 = arith.constant 5 : i32
      %lt3A = arith.constant 14 : i32
      %lt3A_40 = vector.broadcast %lt3A : i32 to vector<16xi32>
      %lt3A_41 = arith.cmpi slt, %iota3A, %lt3A_40 : vector<16xi32>
      %jit3A = arith.constant 0.000000e+00 : f32
      %broadcast_in_dim3A_42 = vector.broadcast %jit3A : f32 to vector<16xf32>
      %select_n3A = arith.select %lt3A_41, %scan3A_29#1, %broadcast_in_dim3A_42 : vector<16xi1>, vector<16xf32>
      %mul3A_43 = arith.mulf %scan3A_29#0, %get3A_4 : vector<16xf32>
      %reduce_sum3A = arith.constant true
      %reduce_sum3A_44 = vector.broadcast %reduce_sum3A : i1 to vector<16xi1>
      %reduce_sum3A_45 = tpu.scan <sum>, %mul3A_43 masked %reduce_sum3A_44 : vector<16xf32>, vector<16xi1> -> vector<16xf32>
      %reduce_sum3A_46 = vector.extract %reduce_sum3A_45[15] : f32 from vector<16xf32>
      %mul3A_47 = arith.mulf %select_n3A, %get3A_6 : vector<16xf32>
      %reduce_sum3A_48 = arith.constant true
      %reduce_sum3A_49 = vector.broadcast %reduce_sum3A_48 : i1 to vector<16xi1>
      %reduce_sum3A_50 = tpu.scan <sum>, %mul3A_47 masked %reduce_sum3A_49 : vector<16xf32>, vector<16xi1> -> vector<16xf32>
      %reduce_sum3A_51 = vector.extract %reduce_sum3A_50[15] : f32 from vector<16xf32>
      %add3A_52 = arith.addf %reduce_sum3A_46, %reduce_sum3A_51 : f32
      %jit3A_53 = arith.constant 16 : i32
      %div3A = arith.divsi %scan3A_16, %jit3A_53 : i32
      %sign3A = arith.constant 0 : i32
      %sign3A_54 = arith.cmpi sgt, %scan3A_16, %sign3A : i32
      %sign3A_55 = arith.extui %sign3A_54 : i1 to i32
      %sign3A_56 = arith.constant 0 : i32
      %sign3A_57 = arith.cmpi slt, %scan3A_16, %sign3A_56 : i32
      %sign3A_58 = arith.extui %sign3A_57 : i1 to i32
      %sign3A_59 = arith.subi %sign3A_55, %sign3A_58 : i32
      %sign3A_60 = arith.constant 0 : i32
      %sign3A_61 = arith.cmpi sgt, %jit3A_53, %sign3A_60 : i32
      %sign3A_62 = arith.extui %sign3A_61 : i1 to i32
      %sign3A_63 = arith.constant 0 : i32
      %sign3A_64 = arith.cmpi slt, %jit3A_53, %sign3A_63 : i32
      %sign3A_65 = arith.extui %sign3A_64 : i1 to i32
      %sign3A_66 = arith.subi %sign3A_62, %sign3A_65 : i32
      %ne3A = arith.cmpi ne, %sign3A_59, %sign3A_66 : i32
      %rem3A = arith.remsi %scan3A_16, %jit3A_53 : i32
      %ne3A_67 = arith.constant 0 : i32
      %ne3A_68 = arith.cmpi ne, %rem3A, %ne3A_67 : i32
      %and3A = arith.andi %ne3A, %ne3A_68 : i1
      %sub3A = arith.constant 1 : i32
      %sub3A_69 = arith.subi %div3A, %sub3A : i32
      %select_n3A_70 = arith.select %and3A, %sub3A_69, %div3A : i32
      %mul3A_71 = arith.constant 16 : i32
      %mul3A_72 = arith.muli %select_n3A_70, %mul3A_71 : i32
      %get3A_73 = arith.index_cast %mul3A_72 : i32 to index
      %get3A_74 = tpu.vector_load %arg9[%get3A_73] {strides = array<i32>} : memref<32xi32, #tpu.memory_space<vmem>>, vector<16xi32>,
      %jit3A_75 = arith.constant 16 : i32
      %eq3A = arith.constant 0 : i32
      %eq3A_76 = arith.cmpi eq, %jit3A_75, %eq3A : i32
      %jit3A_77 = arith.constant 1 : i32
      %select_n3A_78 = arith.select %eq3A_76, %jit3A_77, %jit3A_75 : i32
      %rem3A_79 = arith.remsi %scan3A_16, %select_n3A_78 : i32
      %ne3A_80 = arith.constant 0 : i32
      %ne3A_81 = arith.cmpi ne, %rem3A_79, %ne3A_80 : i32
      %lt3A_82 = arith.constant 0 : i32
      %lt3A_83 = arith.cmpi slt, %rem3A_79, %lt3A_82 : i32
      %lt3A_84 = arith.constant 0 : i32
      %lt3A_85 = arith.cmpi slt, %select_n3A_78, %lt3A_84 : i32
      %ne3A_86 = arith.xori %lt3A_83, %lt3A_85 : i1
      %and3A_87 = arith.andi %ne3A_86, %ne3A_81 : i1
      %add3A_88 = arith.addi %rem3A_79, %select_n3A_78 : i32
      %select_n3A_89 = arith.select %and3A_87, %add3A_88, %rem3A_79 : i32
      %eq3A_90 = vector.broadcast %select_n3A_89 : i32 to vector<16xi32>
      %eq3A_91 = arith.cmpi eq, %iota3A, %eq3A_90 : vector<16xi32>
      %jit3A_92 = arith.constant 1073741824 : i32
      %broadcast_in_dim3A_93 = vector.broadcast %jit3A_92 : i32 to vector<16xi32>
      %select_n3A_94 = arith.select %eq3A_91, %get3A_74, %broadcast_in_dim3A_93 : vector<16xi1>, vector<16xi32>
      %reduce_min3A = arith.constant true
      %reduce_min3A_95 = vector.broadcast %reduce_min3A : i1 to vector<16xi1>
      %reduce_min3A_96 = arith.constant -2147483648 : i32
      %reduce_min3A_97 = vector.broadcast %reduce_min3A_96 : i32 to vector<16xi32>
      %reduce_min3A_98 = arith.xori %select_n3A_94, %reduce_min3A_97 : vector<16xi32>
      %reduce_min3A_99 = tpu.scan <min>, %reduce_min3A_98 masked %reduce_min3A_95 : vector<16xi32>, vector<16xi1> -> vector<16xi32>
      %reduce_min3A_100 = arith.xori %reduce_min3A_99, %reduce_min3A_97 : vector<16xi32>
      %reduce_min3A_101 = vector.extract %reduce_min3A_100[15] : i32 from vector<16xi32>
      %ne3A_102 = arith.cmpi ne, %scan3A_29#4, %reduce_min3A_101 : i32
      %eq3A_103 = arith.cmpi eq, %scan3A_38#1, %reduce_min3A_101 : i32
      %and3A_104 = arith.andi %ne3A_102, %eq3A_103 : i1
      %jit3A_105 = arith.constant 1 : i32
      %jit3A_106 = arith.constant 0 : i32
      %select_n3A_107 = arith.select %and3A_104, %jit3A_105, %jit3A_106 : i32
      %jit3A_108 = arith.constant 16 : i32
      %eq3A_109 = arith.constant 0 : i32
      %eq3A_110 = arith.cmpi eq, %jit3A_108, %eq3A_109 : i32
      %jit3A_111 = arith.constant 1 : i32
      %select_n3A_112 = arith.select %eq3A_110, %jit3A_111, %jit3A_108 : i32
      %rem3A_113 = arith.remsi %scan3A_16, %select_n3A_112 : i32
      %ne3A_114 = arith.constant 0 : i32
      %ne3A_115 = arith.cmpi ne, %rem3A_113, %ne3A_114 : i32
      %lt3A_116 = arith.constant 0 : i32
      %lt3A_117 = arith.cmpi slt, %rem3A_113, %lt3A_116 : i32
      %lt3A_118 = arith.constant 0 : i32
      %lt3A_119 = arith.cmpi slt, %select_n3A_112, %lt3A_118 : i32
      %ne3A_120 = arith.xori %lt3A_117, %lt3A_119 : i1
      %and3A_121 = arith.andi %ne3A_120, %ne3A_115 : i1
      %add3A_122 = arith.addi %rem3A_113, %select_n3A_112 : i32
      %select_n3A_123 = arith.select %and3A_121, %add3A_122, %rem3A_113 : i32
      %eq3A_124 = vector.broadcast %select_n3A_123 : i32 to vector<16xi32>
      %eq3A_125 = arith.cmpi eq, %iota3A, %eq3A_124 : vector<16xi32>
      %broadcast_in_dim3A_126 = vector.broadcast %add3A_52 : f32 to vector<16xf32>
      %select_n3A_127 = arith.select %eq3A_125, %broadcast_in_dim3A_126, %scan3A_17 : vector<16xi1>, vector<16xf32>
      %broadcast_in_dim3A_128 = vector.broadcast %select_n3A_107 : i32 to vector<16xi32>
      %select_n3A_129 = arith.select %eq3A_125, %broadcast_in_dim3A_128, %scan3A_18 : vector<16xi1>, vector<16xi32>
      %jit3A_130 = arith.constant 16 : i32
      %eq3A_131 = arith.constant 0 : i32
      %eq3A_132 = arith.cmpi eq, %jit3A_130, %eq3A_131 : i32
      %jit3A_133 = arith.constant 1 : i32
      %select_n3A_134 = arith.select %eq3A_132, %jit3A_133, %jit3A_130 : i32
      %rem3A_135 = arith.remsi %scan3A_16, %select_n3A_134 : i32
      %ne3A_136 = arith.constant 0 : i32
      %ne3A_137 = arith.cmpi ne, %rem3A_135, %ne3A_136 : i32
      %lt3A_138 = arith.constant 0 : i32
      %lt3A_139 = arith.cmpi slt, %rem3A_135, %lt3A_138 : i32
      %lt3A_140 = arith.constant 0 : i32
      %lt3A_141 = arith.cmpi slt, %select_n3A_134, %lt3A_140 : i32
      %ne3A_142 = arith.xori %lt3A_139, %lt3A_141 : i1
      %and3A_143 = arith.andi %ne3A_142, %ne3A_137 : i1
      %add3A_144 = arith.addi %rem3A_135, %select_n3A_134 : i32
      %select_n3A_145 = arith.select %and3A_143, %add3A_144, %rem3A_135 : i32
      %eq3A_146 = arith.constant 15 : i32
      %eq3A_147 = arith.cmpi eq, %select_n3A_145, %eq3A_146 : i32
      %convert_element_type3A = arith.extui %eq3A_147 : i1 to i32
      %cond3A = arith.constant 0 : i32
      %cond3A_148 = arith.cmpi ne, %convert_element_type3A, %cond3A : i32
      scf.if %cond3A_148 {
        %swap3A = arith.constant 0 : index
        %swap3A_149 = tpu.vector_load %arg11[%swap3A] {strides = array<i32>} : memref<16xf32, #tpu.memory_space<vmem>>, vector<16xf32>,
        tpu.vector_store %arg11[%swap3A], %select_n3A_127 {strides = array<i32>} : memref<16xf32, #tpu.memory_space<vmem>>, vector<16xf32>,
        %swap3A_150 = arith.constant 0 : index
        %swap3A_151 = tpu.vector_load %arg12[%swap3A_150] {strides = array<i32>} : memref<16xi32, #tpu.memory_space<vmem>>, vector<16xi32>,
        tpu.vector_store %arg12[%swap3A_150], %select_n3A_129 {strides = array<i32>} : memref<16xi32, #tpu.memory_space<vmem>>, vector<16xi32>,
        %jit3A_152 = arith.constant 16 : i32
        %div3A_153 = arith.divsi %scan3A_16, %jit3A_152 : i32
        %sign3A_154 = arith.constant 0 : i32
        %sign3A_155 = arith.cmpi sgt, %scan3A_16, %sign3A_154 : i32
        %sign3A_156 = arith.extui %sign3A_155 : i1 to i32
        %sign3A_157 = arith.constant 0 : i32
        %sign3A_158 = arith.cmpi slt, %scan3A_16, %sign3A_157 : i32
        %sign3A_159 = arith.extui %sign3A_158 : i1 to i32
        %sign3A_160 = arith.subi %sign3A_156, %sign3A_159 : i32
        %sign3A_161 = arith.constant 0 : i32
        %sign3A_162 = arith.cmpi sgt, %jit3A_152, %sign3A_161 : i32
        %sign3A_163 = arith.extui %sign3A_162 : i1 to i32
        %sign3A_164 = arith.constant 0 : i32
        %sign3A_165 = arith.cmpi slt, %jit3A_152, %sign3A_164 : i32
        %sign3A_166 = arith.extui %sign3A_165 : i1 to i32
        %sign3A_167 = arith.subi %sign3A_163, %sign3A_166 : i32
        %ne3A_168 = arith.cmpi ne, %sign3A_160, %sign3A_167 : i32
        %rem3A_169 = arith.remsi %scan3A_16, %jit3A_152 : i32
        %ne3A_170 = arith.constant 0 : i32
        %ne3A_171 = arith.cmpi ne, %rem3A_169, %ne3A_170 : i32
        %and3A_172 = arith.andi %ne3A_168, %ne3A_171 : i1
        %sub3A_173 = arith.constant 1 : i32
        %sub3A_174 = arith.subi %div3A_153, %sub3A_173 : i32
        %select_n3A_175 = arith.select %and3A_172, %sub3A_174, %div3A_153 : i32
        %mul3A_176 = arith.constant 16 : i32
        %mul3A_177 = arith.muli %select_n3A_175, %mul3A_176 : i32
        %add3A_178 = arith.addi %mul3A_2, %mul3A_177 : i32
        "tpu.region"() ({
          %run_scoped3A = tpu.sem_alloc : memref<!tpu.dma_semaphore, #tpu.memory_space<semaphore_mem>>
          %dma_start3A = tpu.memref_slice %arg6[%add3A_178] : memref<1024xf32, #tpu.memory_space<hbm>> -> memref<16xf32, #tpu.memory_space<hbm>>
          %dma_start3A_179 = tpu.memref_slice %arg6[%add3A_178] : memref<1024xf32, #tpu.memory_space<hbm>> -> memref<16xf32, #tpu.memory_space<hbm>>
          tpu.enqueue_dma source(%arg11 : memref<16xf32, #tpu.memory_space<vmem>>) target(%dma_start3A_179 : memref<16xf32, #tpu.memory_space<hbm>>) target_semaphore(%run_scoped3A : memref<!tpu.dma_semaphore, #tpu.memory_space<semaphore_mem>>)
          %dma_wait3A = tpu.memref_slice %arg6[%add3A_178] : memref<1024xf32, #tpu.memory_space<hbm>> -> memref<16xf32, #tpu.memory_space<hbm>>
          %dma_wait3A_180 = tpu.memref_slice %arg6[%add3A_178] : memref<1024xf32, #tpu.memory_space<hbm>> -> memref<16xf32, #tpu.memory_space<hbm>>
          tpu.wait_dma2 semaphore(%run_scoped3A : memref<!tpu.dma_semaphore, #tpu.memory_space<semaphore_mem>>) src(%arg11 : memref<16xf32, #tpu.memory_space<vmem>>) dst(%dma_wait3A_180 : memref<16xf32, #tpu.memory_space<hbm>>)
          tpu.yield
        }) : () -> ()
        "tpu.region"() ({
          %run_scoped3A = tpu.sem_alloc : memref<!tpu.dma_semaphore, #tpu.memory_space<semaphore_mem>>
          %dma_start3A = tpu.memref_slice %arg7[%add3A_178] : memref<1024xi32, #tpu.memory_space<hbm>> -> memref<16xi32, #tpu.memory_space<hbm>>
          %dma_start3A_179 = tpu.memref_slice %arg7[%add3A_178] : memref<1024xi32, #tpu.memory_space<hbm>> -> memref<16xi32, #tpu.memory_space<hbm>>
          tpu.enqueue_dma source(%arg12 : memref<16xi32, #tpu.memory_space<vmem>>) target(%dma_start3A_179 : memref<16xi32, #tpu.memory_space<hbm>>) target_semaphore(%run_scoped3A : memref<!tpu.dma_semaphore, #tpu.memory_space<semaphore_mem>>)
          %dma_wait3A = tpu.memref_slice %arg7[%add3A_178] : memref<1024xi32, #tpu.memory_space<hbm>> -> memref<16xi32, #tpu.memory_space<hbm>>
          %dma_wait3A_180 = tpu.memref_slice %arg7[%add3A_178] : memref<1024xi32, #tpu.memory_space<hbm>> -> memref<16xi32, #tpu.memory_space<hbm>>
          tpu.wait_dma2 semaphore(%run_scoped3A : memref<!tpu.dma_semaphore, #tpu.memory_space<semaphore_mem>>) src(%arg12 : memref<16xi32, #tpu.memory_space<vmem>>) dst(%dma_wait3A_180 : memref<16xi32, #tpu.memory_space<hbm>>)
          tpu.yield
        }) : () -> ()
      } else {
      }
      scf.yield %select_n3A_127, %select_n3A_129 : vector<16xf32>, vector<16xi32>
    }
    %scan3A_15 = arith.constant 32 : i32
    return
  }
}

module attributes {stable_mosaic.version = 14 : i64} {
  func.func @_tc_head(%arg0: memref<1024x512xf32, #tpu.memory_space<vmem>>, %arg1: memref<512x16xf32, #tpu.memory_space<vmem>>, %arg2: memref<1x16xf32, #tpu.memory_space<vmem>>, %arg3: memref<16x1xf32, #tpu.memory_space<vmem>>, %arg4: memref<1x1xf32, #tpu.memory_space<vmem>>, %arg5: memref<1024x1xf32, #tpu.memory_space<vmem>>, %arg6: memref<1024x1xf32, #tpu.memory_space<vmem>>) attributes {dimension_semantics = [], scalar_prefetch = 0 : i64, scratch_operands = 0 : i64, tpu.core_type = #tpu.core_type<tc>} {
    %get3A = arith.constant 0 : index
    %get3A_0 = arith.constant 0 : index
    %get3A_1 = vector.load %arg0[%get3A, %get3A_0] : memref<1024x512xf32, #tpu.memory_space<vmem>>, vector<1024x512xf32>
    %get3A_2 = arith.constant 0 : index
    %get3A_3 = arith.constant 0 : index
    %get3A_4 = vector.load %arg1[%get3A_2, %get3A_3] : memref<512x16xf32, #tpu.memory_space<vmem>>, vector<512x16xf32>
    %dot_general3A = arith.constant dense<0.000000e+00> : vector<1024x16xf32>
    %dot_general3A_5 = tpu.matmul %get3A_1, %get3A_4, %dot_general3A {dimension_numbers = #tpu.dot_dimension_numbers<[1], [0], [0], [1], [0, 0, 1, 1], [], []>, transpose_lhs_hint = false} : vector<1024x512xf32>, vector<512x16xf32>, vector<1024x16xf32> -> vector<1024x16xf32>
    %get3A_6 = arith.constant 0 : index
    %get3A_7 = arith.constant 0 : index
    %get3A_8 = vector.load %arg2[%get3A_6, %get3A_7] : memref<1x16xf32, #tpu.memory_space<vmem>>, vector<1x16xf32>
    %add3A = vector.broadcast %get3A_8 : vector<1x16xf32> to vector<1024x16xf32>
    %add3A_9 = arith.addf %dot_general3A_5, %add3A : vector<1024x16xf32>
    %ge3A = arith.constant 0.000000e+00 : f32
    %ge3A_10 = vector.broadcast %ge3A : f32 to vector<1024x16xf32>
    %ge3A_11 = arith.cmpf oge, %add3A_9, %ge3A_10 : vector<1024x16xf32>
    %mul3A = arith.constant 1.000000e-01 : f32
    %mul3A_12 = vector.broadcast %mul3A : f32 to vector<1024x16xf32>
    %mul3A_13 = arith.mulf %add3A_9, %mul3A_12 : vector<1024x16xf32>
    %select_n3A = arith.select %ge3A_11, %add3A_9, %mul3A_13 : vector<1024x16xi1>, vector<1024x16xf32>
    %get3A_14 = arith.constant 0 : index
    %get3A_15 = arith.constant 0 : index
    %get3A_16 = vector.load %arg3[%get3A_14, %get3A_15] : memref<16x1xf32, #tpu.memory_space<vmem>>, vector<16x1xf32>
    %dot_general3A_17 = arith.constant dense<0.000000e+00> : vector<1024x1xf32>
    %dot_general3A_18 = tpu.matmul %select_n3A, %get3A_16, %dot_general3A_17 {dimension_numbers = #tpu.dot_dimension_numbers<[1], [0], [0], [1], [0, 0, 1, 1], [], []>, transpose_lhs_hint = false} : vector<1024x16xf32>, vector<16x1xf32>, vector<1024x1xf32> -> vector<1024x1xf32>
    %get3A_19 = arith.constant 0 : index
    %get3A_20 = arith.constant 0 : index
    %get3A_21 = vector.load %arg4[%get3A_19, %get3A_20] : memref<1x1xf32, #tpu.memory_space<vmem>>, vector<1x1xf32>
    %add3A_22 = vector.broadcast %get3A_21 : vector<1x1xf32> to vector<1024x1xf32>
    %add3A_23 = arith.addf %dot_general3A_18, %add3A_22 : vector<1024x1xf32>
    %get3A_24 = arith.constant 0 : index
    %get3A_25 = arith.constant 0 : index
    %get3A_26 = vector.load %arg5[%get3A_24, %get3A_25] : memref<1024x1xf32, #tpu.memory_space<vmem>>, vector<1024x1xf32>
    %add3A_27 = arith.addf %add3A_23, %get3A_26 : vector<1024x1xf32>
    %swap3A = arith.constant 0 : index
    %swap3A_28 = arith.constant 0 : index
    %swap3A_29 = vector.load %arg6[%swap3A, %swap3A_28] : memref<1024x1xf32, #tpu.memory_space<vmem>>, vector<1024x1xf32>
    tpu.vector_store %arg6[%swap3A, %swap3A_28], %add3A_27 {strides = array<i32>} : memref<1024x1xf32, #tpu.memory_space<vmem>>, vector<1024x1xf32>,
    return
  }
}

</mosaic_0001>

<sc_bundles>
// kernel: kernel.4.cloned.1.call-start
scs
__scs_entry_jumppad:
0x0: {  	(pc) =	sbr.rel $0x88, $3  }
0x1: {  	(tag) =	ssettag $0x0;
	lr =	simm.s32 $0x1  }
0x2: {  	[smem:$0x3F99] =	sst lr;
	_ =	strace $0xD0000000  }
0x3: {  	_ = 	snop  }
0x4: {  	_ = 	snop  }
0x5: {  	_ = 	snop  }
0x6: {  	_ = 	snop  }
0x7: {  	_ = 	snop  }
__scs_overlays_trampoline_lowered:
0x8: {  	[smem:$0x3FA8] =	sst s0  }
0x9: {  	[smem:$0x3FA9] =	sst s1  }
0xa: {  	[smem:$0x3FAA] =	sst s2  }
0xb: {  	[smem:$0x3FAB] =	sst s3  }
0xc: {  	[smem:$0x3FAC] =	sst s4  }
0xd: {  	[smem:$0x3FAD] =	sst s5  }
0xe: {  	[smem:$0x3FAE] =	sst s6  }
0xf: {  	[smem:$0x3FAF] =	sst s7  }
0x10: {  	[smem:$0x3FB0] =	sst s8  }
0x11: {  	[smem:$0x3FB1] =	sst s9;
	s0 =	simm.s32 @!p0 $0x0  }
0x12: {  	s1 =	sld [smem:$0x3F97];
	s0 =	simm.s32 @p0 $0x1  }
0x13: {  	[smem:$0x3FB2] =	sst s0;
	s0 =	simm.s32 @!p1 $0x0  }
0x14: {  	s2 =	sld [smem:$0x3F96];
	s0 =	simm.s32 @p1 $0x1  }
0x15: {  	[smem:$0x3FB3] =	sst s0;
	s0 =	simm.s32 @!p2 $0x0  }
0x16: {  	s3 =	sld [smem:$0x3FDB];
	s0 =	simm.s32 @p2 $0x1  }
0x17: {  	s4 =	simm.s32 $0x1BF5;
	[smem:$0x3FB5] =	sst s0  }
0x18: {  	s0 =	sld [smem:$0x3F98];
	_ =	swait.ge [sflag:s4], $0x0  }
0x19: {  	s7 =	sld [smem:$0x3F99]  }
0x1a: {  	s8 =	sadd.s32 $0xFFFFE003, lr  }
0x1b: {  	s9 =	sadd.s32 $0xFFFFFEF7, lr;
	s5 =	simm.s32 $0xFFFFFFFF;
	p2 =	slt.u32 s8, $0xFFFFF086  }
0x1c: {  	p1 =	slt.u32 s9, $0xF7A;
	s5 =	simm.s32 @!p2 $0x0  }
0x1d: {  	s5 =	simm.s32 @p1 $0x1;
	p0 =	seq.s32 s7, s2  }
0x1e: {  	s7 =	smul.u32 @!p0 $0xF7A, s2;
	p2 =	seq.s32 @!p0 s5, $0x0  }
0x1f: {  	s9 =	smul.u32 $0xF7A, s1;
	s8 =	simm.s32 @!p0 $0x1BF5;
	p2 =	por !p2, p0  }
0x20: {  	[sflag:s8] =	ssyncset.s32 @!p0 $0xFFFFF086;
	s6 =	sadd.s32 @!p0 s3, s7;
	s7 =	simm.s32 @!p0 $0x108  }
0x21: {  	s3 =	sadd.s32 s3, s9;
	s6 =	sadd.s32 @!p0 $0x88, s6;
	s7 =	simm.s32 @p2 $0x1082  }
0x22: {  	[simem:s7], [sflag:s8] =	dma.local @!p0 [hbm:s6], $0xF7A  }
0x23: {  	s9 =	sor.u32 $0xD0000000, s2;
	s6 =	simm.s32 $0x108;
	_ =	swait.ge @!p0 [sflag:s8], $0x0  }
0x24: {  	s3 =	sadd.s32 $0x88, s3;
	s6 =	simm.s32 @!p1 $0x1082;
	[sflag:s4] =	ssyncset.s32 $0xFFFFF086  }
0x25: {  	[simem:s6], [sflag:s4] =	dma.local [hbm:s3], $0xF7A  }
0x26: {  	[smem:$0x3F99] =	sst s1;
	(tag) =	ssettag s2;
	_ =	strace s9  }
0x27: {  	s1 =	sld [smem:$0x3FA9]  }
0x28: {  	s2 =	sld [smem:$0x3FAA]  }
0x29: {  	s4 =	sld [smem:$0x3FAC]  }
0x2a: {  	p0 =	seq.s32 s5, $0x0;
	s5 =	sld [smem:$0x3FAD]  }
0x2b: {  	s6 =	sld [smem:$0x3FAE]  }
0x2c: {  	s7 =	sld [smem:$0x3FAF]  }
0x2d: {  	s3 =	simm.s32 $0x108;
	s8 =	sld [smem:$0x3FB0]  }
0x2e: {  	s3 =	simm.s32 @!p0 $0x1082;
	s9 =	sld [smem:$0x3FB1]  }
0x2f: {  	lr =	sadd.s32 s0, s3;
	s0 =	sld [smem:$0x3FA8]  }
0x30: {  	s3 =	sld [smem:$0x3FAB]  }
0x31: {  	[smem:$0x3FB4] =	sst s10  }
0x32: {  	s10 =	sld [smem:$0x3FB2];
	_ =	sdelay $0x3  }
0x33: {  	p0 =	seq.s32 s10, $0x1;
	s10 =	sld [smem:$0x3FB4];
	_ =	sdelay $0x3  }
0x34: {  	[smem:$0x3FB4] =	sst s10  }
0x35: {  	s10 =	sld [smem:$0x3FB3];
	_ =	sdelay $0x3  }
0x36: {  	p1 =	seq.s32 s10, $0x1;
	s10 =	sld [smem:$0x3FB4];
	_ =	sdelay $0x3  }
0x37: {  	[smem:$0x3FB4] =	sst s10  }
0x38: {  	s10 =	sld [smem:$0x3FB5]  }
0x39: {  	_ = 	snop;
	(pc) =	sbr.ind lr, $3  }
0x3a: {  	_ = 	snop  }
0x3b: {  	_ = 	snop  }
0x3c: {  	p2 =	seq.s32 s10, $0x1;
	s10 =	sld [smem:$0x3FB4]  }
0x3d: {  	_ =	shalt  }
0x3e: {  	_ =	shalt  }
0x3f: {  	_ =	shalt  }
0x40: {  	_ =	shalt  }
0x41: {  	_ =	shalt  }
0x42: {  	_ =	shalt  }
0x43: {  	_ =	shalt  }
0x44: {  	_ =	shalt  }
0x45: {  	_ =	shalt  }
0x46: {  	_ =	shalt  }
0x47: {  	_ =	shalt  }
0x48: {  	_ =	shalt  }
0x49: {  	_ =	shalt  }
0x4a: {  	_ =	shalt  }
0x4b: {  	_ =	shalt  }
0x4c: {  	_ =	shalt  }
0x4d: {  	_ =	shalt  }
0x4e: {  	_ =	shalt  }
0x4f: {  	_ =	shalt  }
0x50: {  	_ =	shalt  }
0x51: {  	_ =	shalt  }
0x52: {  	_ =	shalt  }
0x53: {  	_ =	shalt  }
0x54: {  	_ =	shalt  }
0x55: {  	_ =	shalt  }
0x56: {  	_ =	shalt  }
0x57: {  	_ =	shalt  }
0x58: {  	_ =	shalt  }
0x59: {  	_ =	shalt  }
0x5a: {  	_ =	shalt  }
0x5b: {  	_ =	shalt  }
0x5c: {  	_ =	shalt  }
0x5d: {  	_ =	shalt  }
0x5e: {  	_ =	shalt  }
0x5f: {  	_ =	shalt  }
0x60: {  	_ =	shalt  }
0x61: {  	_ =	shalt  }
0x62: {  	_ =	shalt  }
0x63: {  	_ =	shalt  }
0x64: {  	_ =	shalt  }
0x65: {  	_ =	shalt  }
0x66: {  	_ =	shalt  }
0x67: {  	_ =	shalt  }
0x68: {  	_ =	shalt  }
0x69: {  	_ =	shalt  }
0x6a: {  	_ =	shalt  }
0x6b: {  	_ =	shalt  }
0x6c: {  	_ =	shalt  }
0x6d: {  	_ =	shalt  }
0x6e: {  	_ =	shalt  }
0x6f: {  	_ =	shalt  }
0x70: {  	_ =	shalt  }
0x71: {  	_ =	shalt  }
0x72: {  	_ =	shalt  }
0x73: {  	_ =	shalt  }
0x74: {  	_ =	shalt  }
0x75: {  	_ =	shalt  }
0x76: {  	_ =	shalt  }
0x77: {  	_ =	shalt  }
0x78: {  	_ =	shalt  }
0x79: {  	_ =	shalt  }
0x7a: {  	_ =	shalt  }
0x7b: {  	_ =	shalt  }
0x7c: {  	_ =	shalt  }
0x7d: {  	_ =	shalt  }
0x7e: {  	_ =	shalt  }
0x7f: {  	_ =	shalt  }
0x80: {  	_ =	shalt  }
0x81: {  	_ =	shalt  }
0x82: {  	_ =	shalt  }
0x83: {  	_ =	shalt  }
0x84: {  	_ =	shalt  }
0x85: {  	_ =	shalt  }
0x86: {  	_ =	shalt  }
0x87: {  	_ =	shalt  }
.Lfunc_end0:
.L_simem_size_0:
called_computation_lowered:
.L_overlay_start_0:
0x88: {  	s2 =	sld [smem:$0x3FD9]  }
0x89: {  	s3 =	sld [smem:$0x3FFE];
	_ =	sdelay $0x1  }
0x8a: {  	s1 =	srdreg.scid  }
0x8b: {  	s0 =	sand.u32 $0x1, s1  }
0x8c: {  	s14 =	sshll.u32 s0, $0xA;
	s2 =	sadd.s32 s3, s2  }
0x8d: {  	s2 =	sadd.s32 s2, s14  }
0x8e: {  	[smem:$0x3FC0] =	sst s2  }
0x8f: {  	_ = 	snop  }
0x90: {  	s2 =	sld [smem:$0x3FD0];
	_ =	sdelay $0x2  }
0x91: {  	s4 =	simm.s32 $0xA;
	s5 =	simm.s32 $0x10;
	s15 =	sld [smem:$0x3FC6]  }
0x92: {  	[smem:s5], [sflag:s4] =	dma.local [hbm:s2], $0x1  }
0x93: {  	_ =	swait.eq [sflag:s4], $0x1  }
0x94: {  	[sflag:s4] =	ssyncset.done $0x0  }
0x95: {  	s16 =	sld [smem:$0x10];
	[sflag:s4] =	ssyncadd.s32 $0xFFFFFFFF  }
0x96: {  	s17 =	sld [smem:$0x11];
	(tm) =	ssettm $0x1  }
0x97: {  	s18 =	sld [smem:$0x3FFB];
	_ =	sdelay $0x3  }
0x98: {  	_ =	strace s18  }
0x99: {  	s5 =	sld [smem:$0x3FFC];
	_ =	sdelay $0x3  }
0x9a: {  	_ =	strace s5  }
0x9b: {  	s5 =	sld [smem:$0x3FFD];
	_ =	sdelay $0x3  }
0x9c: {  	_ =	strace s5  }
0x9d: {  	_ =	strace $0x8FFFFFFF  }
0x9e: {  	s19 =	sld [smem:$0x3FDB];
	_ =	sdelay $0x1  }
0x9f: {  	s6 =	simm.s32 $_scs_section_size  }
0xa0: {  	s7 =	simm.s32 $_size__tile_overlayer_lowered;
	s8 =	simm.s32 $_tile_overlayer_lowered  }
0xa1: {  	s22 =	simm.s32 $0x1BFF;
	s21 =	sshll.u32 s8, $0x1;
	s5 =	sadd.s32 s6, s19  }
0xa2: {  	s9 =	simm.s32 $0x0;
	s20 =	sshll.u32 s7, $0x1;
	s7 =	sadd.s32 s21, s5  }
0xa3: {  	[timem:s9], [sflag:s22] =	dma.local [hbm:s7], s20  }
0xa4: {  	_ =	swait.ge [sflag:s22], s20  }
0xa5: {  	s6 =	ssub.s32 $0x0, s20;
	[sflag:s22] =	ssyncset.done $0x0  }
0xa6: {  	[sflag:s22] =	ssyncadd.s32 s6;
	_ =	sdelay $0x1  }
0xa7: {  	s23 =	simm.s32 $0x1B8B  }
0xa8: {  	_ =	swait.ge [sflag:s23], $0x1  }
0xa9: {  	[sflag:s23] =	ssyncset.done $0x0  }
0xaa: {  	s25 =	simm.s32 $0x1B8E;
	s24 =	sld [smem:$0x3FFE];
	[sflag:s23] =	ssyncadd.s32 $0xFFFFFFFF  }
0xab: {  	s26 =	simm.s32 $execute0_lowered;
	[smem:$0x3FD2] =	sst s25  }
0xac: {  	s7 =	sshll.u32 s26, $0x1;
	_ =	strace $0x80000046;
	[dreg:$0x1] =	wrdreg $0xFFFFFFFF  }
0xad: {  	s28 =	simm.s32 $_size_execute0_lowered;
	s5 =	sadd.s32 s5, s7;
	[dreg:$0x0] =	wrdreg $0x0  }
0xae: {  	s7 =	sshll.u32 s28, $0x1;
	[dreg:$0x2] =	wrdreg s5  }
0xaf: {  	[dreg:$0x3] =	wrdreg s7  }
0xb0: {  	[dreg:$0x4] =	wrdreg $0xC0  }
0xb1: {  	_ =	task [dreg:s9], $0x5FFFF  }
0xb2: {  	[dreg:$0x1] =	wrdreg $0xFFFFFFFF  }
0xb3: {  	[dreg:$0x0] =	wrdreg $0x60  }
0xb4: {  	[dreg:$0x2] =	wrdreg s24  }
0xb5: {  	[dreg:$0x3] =	wrdreg s15  }
0xb6: {  	[dreg:$0x4] =	wrdreg s17  }
0xb7: {  	[dreg:$0x5] =	wrdreg s16  }
0xb8: {  	[dreg:$0x6] =	wrdreg $0x9  }
0xb9: {  	_ =	task.clear_ibuf [dreg:s9], $0x7FFFF;
	_ =	strace $0x90000046  }
0xba: {  	s29 =	simm.s32 $0x9;
	_ =	strace $0x80000048  }
0xbb: {  	_ =	swait.ge [sflag:s29], $0x1  }
0xbc: {  	[sflag:s29] =	ssyncadd.s32 $0xFFFFFFFF  }
0xbd: {  	_ =	strace $0x90000048  }
0xbe: {  	_ =	sfence  }
0xbf: {  	s30 =	sld [smem:$0x0];
	_ =	sdelay $0x2  }
0xc0: {  	s31 =	sshll.u32 s1, $0xD;
	s1 =	sshrl.u32 s1, $0x2  }
0xc1: {  	s3 =	sand.u32 $0x4000, s31;
	s1 =	sadd.s32 s1, s30  }
0xc2: {  	s0 =	sor.u32 s3, s0;
	s1 =	sshll.u32 s1, $0x11  }
0xc3: {  	s0 =	sor.u32 s1, s0  }
0xc4: {  	s0 =	sadd.s32 $0x8F2B, s0  }
0xc5: {  	[sflag:s0] =	ssyncadd.remote.s32 $0x1  }
0xc6: {  	_ =	sfence.sel $0xFFFF  }
0xc7: {  	[dreg:$0x0] =	wrdreg $0xFFFFFFFF;
	(pc) =	sbr.abs _section_cstart, $3  }
0xc8: {  	[dreg:$0x1] =	wrdreg $0xFFFFFFFF  }
0xc9: {  	_ =	task.clear_ibuf [dreg:s9], $0x2FFFF;
	_ =	strace $0x9FFFFFFF  }
0xca: {  	(tm) =	ssettm $0x7FFFFFFF  }
0xcb: {  	_ =	shalt  }
tec
execute0_lowered:
.L_overlay_start_1:
0x0: {  	(tag) =	ssettag $0x1  }
0x1: {  	s8 =	rddreg [dreg:$0x0]  }
0x2: {  	s9 =	rddreg [dreg:$0x1]  }
0x3: {  	s1 =	rddreg [dreg:$0x2]  }
0x4: {  	s2 =	rddreg [dreg:$0x3]  }
0x5: {  	s4 =	simm.s32 $0x0;
	s5 =	srdreg.scid;
	s3 =	stileid.u32  }
0x6: {  	s13 =	simm.s32 $0x4F00;
	s14 =	simm.s32 $0x2;
	s15 =	simm.s32 $0x0  }
0x7: {  	[smem:$0x7FF] =	sst s4;
	s6 =	sand.u32 $0x1, s5;
	s7 =	sshll.u32 s3, $0x6  }
.Ltmp0:
0x8: {  	s5 =	sadd.s32 $0x186DE00, s8;
	s10 =	sshll.u32 s6, $0x5;
	(pc) =	sbr.rel .LBB2_1-.Ltmp0, $4  }
0x9: {  	_ =	strace $0x80000047;
	s11 =	ssub.s32 $0x2, s6;
	s6 =	sor.u32 s10, s7  }
0xa: {  	s7 =	sadd.s32 $0xC38E00, s8;
	s31 =	sshrl.u32 s11, $0x1;
	s8 =	sadd.s32 $0xE00, s8  }
0xb: {  	v0 =	vlaneseq.u32;
	s12 =	sshrl.u32 s6, $0x3;
	s10 =	ssub.s32 s11, s31;
	s11 =	simm.s32 $0x4E80  }
0xc: {  	v1 =	vimm.f32 $0.0e+00;
	vm0 =	vmmov $0x3fff;
	v2 =	vor.u32 $0x80000000, v0;
	s9 =	sadd.s32 s9, s12;
	s10 =	smax.u32 s10, $0x1;
	s12 =	simm.s32 $0x1  }
.LBB2_23:
0xd: {  	s15 =	sadd.s32 $0x1, s15  }
0xe: {  	p0 =	sne.s32 s15, s10  }
.Ltmp1:
0xf: {  	_ = 	snop;
	(pc) =	sbr.rel @!p0 .LBB2_24-.Ltmp1, $1  }
0x10: {  	_ =	sdelay $0x3  }
.LBB2_1:
0x11: {  	[tilespmem:s11], [sflag:$0x1] =	stream.linear.gather [hbm4b:s9+s4], $0x20, $0x38;
	[tilespmem:$0x5080] =	vst v63  }
0x12: {  	_ =	swait.ge [sflag:s12], $0x20  }
0x13: {  	[sflag:s12] =	ssyncset.done $0x0  }
0x14: {  	[sflag:s12] =	ssyncadd.s32 $0xFFFFFFE0  }
0x15: {  	[tilespmem:s13], [sflag:$0x1] =	stream.linear.gather [hbm4b:s1+s4], $0x80, $0x38;
	[tilespmem:$0x5080] =	vst v63  }
.Ltmp2:
0x16: {  	_ =	swait.ge [sflag:s12], $0x80;
	(pc) =	sbr.rel .LBB2_2-.Ltmp2, $4  }
0x17: {  	[sflag:s12] =	ssyncset.done $0x0  }
0x18: {  	[sflag:s12] =	ssyncadd.s32 $0xFFFFFF80  }
0x19: {  	v3 =	vld [tilespmem:$0x4F00]  }
0x1a: {  	v4 =	vimm.s32 $0x0;
	v6 =	vimm.f32 $0.0e+00;
	s16 =	simm.s32 $0x0;
	v5 =	vld [tilespmem:$0x4F10]  }
.LBB2_22:
0x1b: {  	_ =	sdelay $0x2  }
0x1c: {  	v7 =	vnsel vm0, $0x0, v7;
	s0 =	sand.u32 $0x10, s16;
	v8 =	vmul.f32 v8, v3  }
0x1d: {  	v9 =	vld [tilespmem:s0+$0x4E80];
	v7 =	vmul.f32 v7, v5  }
0x1e: {  	(xrf2) =	vadd.scan.msk.f32 $0xffff, v8  }
0x1f: {  	(xrf2) =	vadd.scan.msk.f32 $0xffff, v7  }
0x20: {  	s17 =	sand.u32 $0xF, s16  }
0x21: {  	v7 =	vmov s17  }
0x22: {  	vm1 =	veq.s32 v7, v0;
	v7 =	vxor.u32 $0x80000000, v9  }
0x23: {  	v7 =	vnsel vm1, $0xC0000000, v7  }
0x24: {  	(xrf0) =	vmin.scan.msk.u32 $0xffff, v7;
	_ =	sdelay $0x3  }
0x25: {  	v7, _, _ =	vpop (xrf2)  }
0x26: {  	(v2sf) =	vpush v7, $0xF;
	v7, _, _ =	vpop (xrf2)  }
0x27: {  	(v2sf) =	vpush v7, $0xF;
	v7, _, _ =	vpop (xrf0)  }
0x28: {  	(v2sf) =	vpush v7, $0xF;
	_ =	sdelay $0xc  }
0x29: {  	s19 =	spop (v2sf)  }
0x2a: {  	s20 =	spop (v2sf)  }
0x2b: {  	s21 =	spop (v2sf)  }
0x2c: {  	s21 =	sxor.u32 $0x80000000, s21  }
0x2d: {  	p0 =	sne.s32 s18, s21;
	p1 =	seq.s32 s26, s21  }
0x2e: {  	s31 =	sadd.f32 s20, s19;
	p0 =	por !p0, !p1  }
0x2f: {  	s19 =	simm.s32 $0x1;
	p1 =	por !p0, !p0;
	p0 =	sne.s32 s17, $0xF  }
0x30: {  	v6 =	vsel vm1, s31, v6;
	s19 =	simm.s32 @!p1 $0x0;
	s0 =	sor.u32 @!p0 s6, s0  }
0x31: {  	[tilespmem:$0x4F80] =	vst @!p0 v6;
	v4 =	vsel vm1, s19, v4;
	s0 =	sshrl.u32 @!p0 s0, $0x3  }
0x32: {  	s18 =	simm.s32 @!p0 $0x0;
	s19 =	simm.s32 @!p0 $0x4F80;
	[tilespmem:$0x5000] =	vst @!p0 v4;
	s17 =	sadd.s32 @!p0 s2, s0  }
0x33: {  	[hbm4b:s17+s18] =	stream.linear.scatter @!p0 [tilespmem:s19], [sflag:$0x2], $0x10, $0x38;
	[tilespmem:$0x5080] =	vst v63  }
0x34: {  	s17 =	simm.s32 @!p0 $0x2  }
0x35: {  	s16 =	sadd.s32 $0x1, s16;
	_ =	swait.ge @!p0 [sflag:s17], $0x10  }
0x36: {  	p1 =	sne.s32 s16, $0x20;
	[sflag:s17] =	ssyncset.done @!p0 $0x0  }
0x37: {  	s0 =	sadd.s32 @!p0 s8, s0;
	[sflag:s17] =	ssyncadd.s32 @!p0 $0xFFFFFFF0;
	s17 =	simm.s32 @!p0 $0x5000  }
0x38: {  	[hbm4b:s0+s18] =	stream.linear.scatter @!p0 [tilespmem:s17], [sflag:$0x1], $0x10, $0x38;
	[tilespmem:$0x5080] =	vst v63  }
.Ltmp3:
0x39: {  	_ = 	snop;
	(pc) =	sbr.rel @!p1 .LBB2_23-.Ltmp3, $4  }
0x3a: {  	s0 =	simm.s32 @!p0 $0x1  }
0x3b: {  	_ =	swait.ge @!p0 [sflag:s0], $0x10  }
0x3c: {  	[sflag:s0] =	ssyncset.done @!p0 $0x0  }
0x3d: {  	[sflag:s0] =	ssyncadd.s32 @!p0 $0xFFFFFFF0  }
.LBB2_2:
.Ltmp4:
0x3e: {  	(pc) =	sbr.rel .LBB2_3-.Ltmp4, $4  }
0x3f: {  	_ = 	snop  }
0x40: {  	s17 =	sor.u32 s6, s16  }
0x41: {  	s19 =	simm.f32 $-Inf;
	s20 =	simm.s32 $0x0;
	s18 =	simm.s32 $0x0  }
0x42: {  	v7 =	vimm.f32 $-Inf;
	s21 =	simm.f32 $-Inf;
	v8 =	vimm.f32 $-Inf;
	s22 =	simm.s32 $0x0;
	s17 =	smul.u32 $0x186A0, s17  }
.LBB2_13:
0x43: {  	s22 =	sadd.s32 $0x1, s22  }
0x44: {  	p0 =	sne.s32 s22, $0x5  }
.Ltmp5:
0x45: {  	_ = 	snop;
	(pc) =	sbr.rel @!p0 .LBB2_14-.Ltmp5, $1  }
0x46: {  	_ =	sdelay $0x3  }
.LBB2_3:
0x47: {  	s23 =	smul.u32 $0x4E20, s22;
	_ =	sdelay $0x1  }
0x48: {  	s24 =	sadd.s32 s17, s23  }
0x49: {  	s24 =	sshrl.u32 s24, $0x3  }
.Ltmp6:
0x4a: {  	s24 =	sadd.s32 s5, s24;
	(pc) =	sbr.rel .LBB2_4-.Ltmp6, $4  }
0x4b: {  	[tilespmem:s20], [sflag:$0x2] =	stream.linear.gather [hbm4b:s24+s20], $0x4E20, $0x38;
	[tilespmem:$0x5080] =	vst v63  }
0x4c: {  	_ =	swait.ge [sflag:s14], $0x4E20  }
0x4d: {  	[sflag:s14] =	ssyncset.done $0x0  }
0x4e: {  	s25 =	simm.s32 $0x0;
	s24 =	simm.s32 $0x0;
	[sflag:s14] =	ssyncadd.s32 $0xFFFFB1E0  }
.LBB2_12:
0x4f: {  	s25 =	sadd.s32 $0x1, s25  }
0x50: {  	p1 =	sne.s32 s25, $0x19  }
.Ltmp7:
0x51: {  	_ = 	snop;
	(pc) =	sbr.rel @!p1 .LBB2_13-.Ltmp7, $2  }
0x52: {  	_ =	sdelay $0x2  }
0x53: {  	s19 =	smov.u32 @p0 s28;
	s24 =	sadd.s32 $0x320, s24  }
.LBB2_4:
0x54: {  	s26 =	smul.u32 $0x320, s25  }
0x55: {  	s28 =	smul.u32 $0xC80, s25;
	_ =	sdelay $0x1  }
0x56: {  	v9 =	vld [tilespmem:s26+$0x0];
	s28 =	sshra.s32 s28, $0x2  }
0x57: {  	v10 =	vld [tilespmem:s28+$0x10]  }
0x58: {  	v11 =	vld [tilespmem:s28+$0x20]  }
0x59: {  	v12 =	vld [tilespmem:s28+$0x30]  }
0x5a: {  	v13 =	vld [tilespmem:s28+$0x40]  }
0x5b: {  	v14 =	vld [tilespmem:s28+$0x50]  }
0x5c: {  	v15 =	vld [tilespmem:s28+$0x60]  }
0x5d: {  	s29 =	sand.u32 $0x7FE0, s26;
	v16 =	vld [tilespmem:s28+$0x70]  }
0x5e: {  	v17 =	vld [tilespmem:s29+$0x80]  }
0x5f: {  	v18 =	vld [tilespmem:s28+$0x90]  }
0x60: {  	v19 =	vld [tilespmem:s28+$0xA0]  }
0x61: {  	v20 =	vld [tilespmem:s28+$0xB0]  }
0x62: {  	v21 =	vld [tilespmem:s28+$0xC0]  }
0x63: {  	v22 =	vld [tilespmem:s28+$0xD0]  }
0x64: {  	v23 =	vld [tilespmem:s28+$0xE0]  }
0x65: {  	v24 =	vld [tilespmem:s28+$0xF0]  }
0x66: {  	v25 =	vld [tilespmem:s29+$0x100]  }
0x67: {  	v26 =	vld [tilespmem:s28+$0x110]  }
0x68: {  	v27 =	vld [tilespmem:s28+$0x120]  }
0x69: {  	v28 =	vld [tilespmem:s28+$0x130]  }
0x6a: {  	v29 =	vld [tilespmem:s28+$0x140]  }
0x6b: {  	v30 =	vld [tilespmem:s28+$0x150]  }
0x6c: {  	v31 =	vld [tilespmem:s28+$0x160]  }
0x6d: {  	v32 =	vld [tilespmem:s28+$0x170]  }
0x6e: {  	v33 =	vld [tilespmem:s29+$0x180]  }
0x6f: {  	v34 =	vld [tilespmem:s28+$0x190]  }
0x70: {  	v35 =	vld [tilespmem:s28+$0x1A0]  }
0x71: {  	v36 =	vld [tilespmem:s28+$0x1B0]  }
0x72: {  	v37 =	vld [tilespmem:s28+$0x1C0]  }
0x73: {  	v38 =	vld [tilespmem:s28+$0x1D0]  }
0x74: {  	v39 =	vld [tilespmem:s28+$0x1E0]  }
0x75: {  	v40 =	vld [tilespmem:s28+$0x1F0]  }
0x76: {  	v41 =	vld [tilespmem:s29+$0x200]  }
0x77: {  	v42 =	vld [tilespmem:s28+$0x210]  }
0x78: {  	v43 =	vld [tilespmem:s28+$0x220]  }
0x79: {  	v44 =	vld [tilespmem:s28+$0x230]  }
0x7a: {  	v45 =	vld [tilespmem:s28+$0x240]  }
0x7b: {  	v46 =	vld [tilespmem:s28+$0x250]  }
0x7c: {  	v47 =	vld [tilespmem:s28+$0x260]  }
0x7d: {  	v53 =	vld [tilespmem:s28+$0x270];
	v9 =	vmax.f32 v9, v13  }
0x7e: {  	v54 =	vld [tilespmem:s29+$0x280];
	v10 =	vmax.f32 v10, v14;
	v11 =	vmax.f32 v11, v15;
	v12 =	vmax.f32 v12, v16  }
0x7f: {  	v55 =	vld [tilespmem:s28+$0x290];
	v9 =	vmax.f32 v9, v17;
	v10 =	vmax.f32 v10, v18;
	v11 =	vmax.f32 v11, v19  }
0x80: {  	v56 =	vld [tilespmem:s28+$0x2A0];
	v12 =	vmax.f32 v12, v20;
	v9 =	vmax.f32 v9, v21;
	v10 =	vmax.f32 v10, v22  }
0x81: {  	v57 =	vld [tilespmem:s28+$0x2B0];
	v11 =	vmax.f32 v11, v23;
	v12 =	vmax.f32 v12, v24;
	v9 =	vmax.f32 v9, v25  }
0x82: {  	v58 =	vld [tilespmem:s28+$0x2C0];
	v10 =	vmax.f32 v10, v26;
	v11 =	vmax.f32 v11, v27;
	v12 =	vmax.f32 v12, v28  }
0x83: {  	v59 =	vld [tilespmem:s28+$0x2D0];
	v9 =	vmax.f32 v9, v29;
	v10 =	vmax.f32 v10, v30;
	v11 =	vmax.f32 v11, v31  }
0x84: {  	v60 =	vld [tilespmem:s28+$0x2E0];
	v12 =	vmax.f32 v12, v32;
	v9 =	vmax.f32 v9, v33;
	v10 =	vmax.f32 v10, v34  }
0x85: {  	v61 =	vld [tilespmem:s28+$0x2F0];
	v11 =	vmax.f32 v11, v35;
	v12 =	vmax.f32 v12, v36;
	v9 =	vmax.f32 v9, v37  }
0x86: {  	v62 =	vld [tilespmem:s29+$0x300];
	v10 =	vmax.f32 v10, v38;
	v11 =	vmax.f32 v11, v39;
	v12 =	vmax.f32 v12, v40  }
0x87: {  	v63 =	vld [tilespmem:s28+$0x310];
	v9 =	vmax.f32 v9, v41;
	v10 =	vmax.f32 v10, v42;
	v11 =	vmax.f32 v11, v43  }
0x88: {  	v12 =	vmax.f32 v12, v44;
	v9 =	vmax.f32 v9, v45;
	v10 =	vmax.f32 v10, v46  }
0x89: {  	v11 =	vmax.f32 v11, v47;
	v12 =	vmax.f32 v12, v53;
	v9 =	vmax.f32 v9, v54  }
0x8a: {  	v10 =	vmax.f32 v10, v55;
	v11 =	vmax.f32 v11, v56;
	v12 =	vmax.f32 v12, v57  }
0x8b: {  	v9 =	vmax.f32 v9, v58;
	v10 =	vmax.f32 v10, v59;
	v11 =	vmax.f32 v11, v60  }
0x8c: {  	v12 =	vmax.f32 v12, v61;
	v9 =	vmax.f32 v9, v62;
	v10 =	vmax.f32 v10, v63  }
0x8d: {  	v9 =	vmax.f32 v9, v10;
	v10 =	vmax.f32 v11, v12  }
0x8e: {  	v9 =	vmax.f32 v9, v10  }
0x8f: {  	vm1 =	vgt.f32 v9, s21  }
0x90: {  	v10 =	vsel vm1, $0x3F800000, v1  }
0x91: {  	(xrf0) =	vmax.scan.msk.f32 $0xffff, v10;
	_ =	sdelay $0x5  }
0x92: {  	v10, _, _ =	vpop (xrf0)  }
0x93: {  	(v2sf) =	vpush v10, $0xF;
	_ =	sdelay $0xe  }
0x94: {  	s28 =	spop (v2sf)  }
0x95: {  	p0 =	sgt.f32 s28, $0.0e+00  }
.Ltmp8:
0x96: {  	_ = 	snop;
	(pc) =	sbr.rel @!p0 .LBB2_8-.Ltmp8, $2  }
0x97: {  	_ =	sdelay $0x2  }
0x98: {  	s28 =	simm.s32 $0x0  }
0x99: {  	s29 =	sshra.s32 s28, $0x2  }
0x9a: {  	s29 =	sadd.s32 s29, s24  }
0x9b: {  	v10 =	vld [tilespmem:s29+$0x0];
	_ =	sdelay $0x4  }
0x9c: {  	vm1 =	vgt.f32 v10, s21  }
0x9d: {  	v11 =	vsel vm1, $0x3F800000, v1  }
0x9e: {  	(xrf0) =	vmax.scan.msk.f32 $0xffff, v11;
	_ =	sdelay $0x5  }
0x9f: {  	v11, _, _ =	vpop (xrf0)  }
0xa0: {  	(v2sf) =	vpush v11, $0xF;
	_ =	sdelay $0xe  }
0xa1: {  	s31 =	spop (v2sf)  }
0xa2: {  	p0 =	sgt.f32 s31, $0.0e+00  }
0xa3: {  	v11 =	vmov s21  }
0xa4: {  	vm1 =	vgt.f32 @p0 v10, v11  }
0xa5: {  	v10 =	vnsel @p0 vm1, $0xFF800000, v10  }
0xa6: {  	(xrf1) =	vsort.dscd.msk.f32 @p0 $0xffff, v10, v10;
	_ =	sdelay $0xa  }
0xa7: {  	v10 =	vlaneseq.u32 @p0  }
0xa8: {  	v10 =	vmul.u32 @p0 $0xFFFFFFFF, v10;
	_ =	sdelay $0x1  }
0xa9: {  	v10 =	vadd.s32 @p0 $0xF, v10;
	v11, _, _ =	vpop @p0 (xrf1)  }
0xaa: {  	v11 =	vperm.xlane @p0 v11, v10;
	_ =	sdelay $0x1  }
0xab: {  	v12 =	vmin.f32 @p0 v8, v11  }
0xac: {  	(xrf1) =	vsort.dscd.msk.f32 @p0 $0xffff, v12, v12;
	_ =	sdelay $0xd  }
0xad: {  	v12, _, _ =	vpop @p0 (xrf1)  }
0xae: {  	v10 =	vperm.xlane @p0 v12, v10  }
0xaf: {  	v11 =	vmax.f32 @p0 v8, v11  }
0xb0: {  	(xrf1) =	vsort.dscd.msk.f32 @p0 $0xffff, v11, v11;
	v10 =	vmax.f32 @p0 v7, v10  }
0xb1: {  	(xrf1) =	vsort.dscd.msk.f32 @p0 $0xffff, v10, v10;
	_ =	sdelay $0xc  }
0xb2: {  	v10, _, _ =	vpop @p0 (xrf1)  }
0xb3: {  	vm1 =	vcmask @p0 $0x3338;
	v11, _, _ =	vpop @p0 (xrf1)  }
0xb4: {  	v12 =	vsel @p0 vm1, $0xFF800000, v11  }
0xb5: {  	(xrf0) =	vmax.scan.msk.f32 @p0 $0xffff, v12;
	_ =	sdelay $0x5  }
0xb6: {  	v12, _, _ =	vpop @p0 (xrf0)  }
0xb7: {  	s28 =	sadd.s32 $0x40, s28;
	v8 =	vpsel p0, v10, v8;
	v7 =	vpsel p0, v11, v7;
	(v2sf) =	vpush @p0 v12, $0xF  }
.LBB2_6:
0xb8: {  	_ =	sdelay $0x8  }
0xb9: {  	s29 =	sshra.s32 s28, $0x2;
	s28 =	sadd.s32 $0x40, s28  }
0xba: {  	s29 =	sadd.s32 s29, s24;
	p1 =	sne.s32 s28, $0xC80  }
0xbb: {  	v10 =	vld [tilespmem:s29+$0x0];
	_ =	sdelay $0x2  }
0xbc: {  	s29 =	spop @p0 (v2sf)  }
0xbd: {  	s21 =	smov.u32 @p0 s29  }
0xbe: {  	vm1 =	vgt.f32 v10, s21  }
0xbf: {  	v11 =	vsel vm1, $0x3F800000, v1  }
0xc0: {  	(xrf0) =	vmax.scan.msk.f32 $0xffff, v11;
	_ =	sdelay $0x5  }
0xc1: {  	v11, _, _ =	vpop (xrf0)  }
0xc2: {  	(v2sf) =	vpush v11, $0xF;
	_ =	sdelay $0xe  }
0xc3: {  	s29 =	spop (v2sf)  }
0xc4: {  	p0 =	sgt.f32 s29, $0.0e+00  }
0xc5: {  	v11 =	vmov s21  }
0xc6: {  	vm2 =	vgt.f32 @p0 v10, v11;
	vm1 =	vcmask @p0 $0x3338  }
0xc7: {  	v10 =	vnsel @p0 vm2, $0xFF800000, v10  }
0xc8: {  	(xrf1) =	vsort.dscd.msk.f32 @p0 $0xffff, v10, v10;
	_ =	sdelay $0xa  }
0xc9: {  	v10 =	vlaneseq.u32 @p0  }
0xca: {  	v10 =	vmul.u32 @p0 $0xFFFFFFFF, v10;
	_ =	sdelay $0x1  }
0xcb: {  	v10 =	vadd.s32 @p0 $0xF, v10;
	v11, _, _ =	vpop @p0 (xrf1)  }
0xcc: {  	v11 =	vperm.xlane @p0 v11, v10;
	_ =	sdelay $0x1  }
0xcd: {  	v12 =	vmax.f32 @p0 v8, v11;
	v11 =	vmin.f32 @p0 v8, v11  }
0xce: {  	(xrf1) =	vsort.dscd.msk.f32 @p0 $0xffff, v11, v11  }
0xcf: {  	(xrf1) =	vsort.dscd.msk.f32 @p0 $0xffff, v12, v12;
	_ =	sdelay $0xc  }
0xd0: {  	v11, _, _ =	vpop @p0 (xrf1)  }
0xd1: {  	v10 =	vperm.xlane @p0 v11, v10;
	v11, _, _ =	vpop @p0 (xrf1)  }
0xd2: {  	v8 =	vpsel p0, v11, v8  }
0xd3: {  	v10 =	vmax.f32 @p0 v7, v10  }
0xd4: {  	(xrf1) =	vsort.dscd.msk.f32 @p0 $0xffff, v10, v10;
	_ =	sdelay $0xd  }
0xd5: {  	v10, _, _ =	vpop @p0 (xrf1)  }
0xd6: {  	v11 =	vsel @p0 vm1, $0xFF800000, v10;
	v7 =	vpsel p0, v10, v7  }
0xd7: {  	(xrf0) =	vmax.scan.msk.f32 @p0 $0xffff, v11;
	_ =	sdelay $0x2  }
.Ltmp9:
0xd8: {  	(pc) =	sbr.rel @p1 .LBB2_6-.Ltmp9, $3  }
0xd9: {  	_ =	sdelay $0x1  }
0xda: {  	v10, _, _ =	vpop @p0 (xrf0)  }
0xdb: {  	(v2sf) =	vpush @p0 v10, $0xF  }
0xdc: {  	_ =	sdelay $0xd  }
0xdd: {  	s28 =	spop @p0 (v2sf)  }
0xde: {  	s21 =	smov.u32 @p0 s28  }
.LBB2_8:
0xdf: {  	(xrf0) =	vmax.scan.msk.f32 $0xffff, v9;
	_ =	sdelay $0x5  }
0xe0: {  	v9, _, _ =	vpop (xrf0)  }
0xe1: {  	(v2sf) =	vpush v9, $0xF;
	_ =	sdelay $0xe  }
0xe2: {  	s28 =	spop (v2sf)  }
0xe3: {  	p0 =	sgt.f32 s28, s19  }
.Ltmp10:
0xe4: {  	_ = 	snop;
	(pc) =	sbr.rel @!p0 .LBB2_12-.Ltmp10, $1  }
0xe5: {  	_ =	sdelay $0x3  }
0xe6: {  	v10 =	vld [tilespmem:s24+$0x0];
	_ =	sdelay $0x2  }
0xe7: {  	v9 =	vbroadcast v9, $0xF  }
0xe8: {  	s18 =	simm.s32 $0x0  }
0xe9: {  	vm1 =	veq.f32 v10, v9;
	v10 =	vor.u32 s18, v2  }
0xea: {  	v10 =	vnsel vm1, $0xC0000000, v10  }
0xeb: {  	(xrf0) =	vmin.scan.msk.u32 $0xffff, v10;
	_ =	sdelay $0x4  }
0xec: {  	s0 =	sadd.s32 $0x10, s24  }
0xed: {  	v11 =	vld [tilespmem:s0+$0x0];
	s18 =	sadd.s32 $0x10, s0;
	v10, _, _ =	vpop (xrf0)  }
0xee: {  	(v2sf) =	vpush v10, $0xF;
	v10 =	vld [tilespmem:s18+$0x0];
	_ =	sdelay $0x2  }
0xef: {  	s29 =	simm.s32 $0x10  }
0xf0: {  	s30 =	simm.s32 $0x20;
	vm1 =	veq.f32 v11, v9;
	v11 =	vor.u32 s29, v2  }
0xf1: {  	v11 =	vnsel vm1, $0xC0000000, v11;
	vm1 =	veq.f32 v10, v9;
	v10 =	vor.u32 s30, v2  }
0xf2: {  	(xrf0) =	vmin.scan.msk.u32 $0xffff, v11;
	v10 =	vnsel vm1, $0xC0000000, v10  }
0xf3: {  	(xrf0) =	vmin.scan.msk.u32 $0xffff, v10;
	_ =	sdelay $0x3  }
0xf4: {  	s18 =	sadd.s32 $0x10, s18  }
0xf5: {  	v11 =	vld [tilespmem:s18+$0x0];
	v12, _, _ =	vpop (xrf0)  }
0xf6: {  	(v2sf) =	vpush v12, $0xF;
	v63, _, _ =	vpop (xrf0)  }
0xf7: {  	(v2sf) =	vpush v63, $0xF;
	_ =	sdelay $0x1  }
0xf8: {  	s0 =	simm.s32 $0x30;
	s30 =	sadd.s32 $0x10, s18  }
0xf9: {  	vm1 =	veq.f32 v11, v9;
	v11 =	vor.u32 s0, v2;
	v10 =	vld [tilespmem:s30+$0x0]  }
0xfa: {  	v11 =	vnsel vm1, $0xC0000000, v11  }
0xfb: {  	(xrf0) =	vmin.scan.msk.u32 $0xffff, v11;
	_ =	sdelay $0x1  }
0xfc: {  	s31 =	simm.s32 $0x40;
	s29 =	simm.s32 $0x50  }
0xfd: {  	s18 =	simm.s32 $0x40000000;
	s30 =	sadd.s32 $0x10, s30;
	vm1 =	veq.f32 v10, v9;
	v10 =	vor.u32 s31, v2;
	s31 =	spop (v2sf)  }
.LBB2_10:
0xfe: {  	s0 =	smov.u32 s18;
	p1 =	sne.s32 s29, $0x310  }
0xff: {  	v12 =	vnsel vm1, $0xC0000000, v10;
	s18 =	sxor.u32 $0x80000000, s31;
	s31 =	smov.u32 s29;
	s29 =	sadd.s32 $0x10, s29;
	v11 =	vld [tilespmem:s30+$0x0]  }
.Ltmp11:
0x100: {  	p2 =	slt.s32 s0, s18;
	(xrf0) =	vmin.scan.msk.u32 $0xffff, v12;
	v10, _, _ =	vpop (xrf0);
	(pc) =	sbr.rel @p1 .LBB2_10-.Ltmp11, $2  }
0x101: {  	s18 =	smov.u32 @p2 s0;
	(v2sf) =	vpush v10, $0xF;
	_ =	sdelay $0x2  }
0x102: {  	s30 =	sadd.s32 $0x10, s30;
	v10 =	vor.u32 s31, v2;
	vm1 =	veq.f32 v11, v9;
	s31 =	spop (v2sf)  }
0x103: {  	v9 =	vnsel vm1, $0xC0000000, v10  }
0x104: {  	(xrf0) =	vmin.scan.msk.u32 $0xffff, v9;
	_ =	sdelay $0x3  }
0x105: {  	v9, _, _ =	vpop (xrf0)  }
0x106: {  	(v2sf) =	vpush v9, $0xF  }
0x107: {  	v9, _, _ =	vpop (xrf0)  }
0x108: {  	(v2sf) =	vpush v9, $0xF;
	_ =	sdelay $0x7  }
0x109: {  	s0 =	sxor.u32 $0x80000000, s31  }
0x10a: {  	s29 =	spop (v2sf);
	p1 =	slt.s32 s18, s0  }
0x10b: {  	s0 =	smov.u32 @p1 s18;
	s18 =	sxor.u32 $0x80000000, s29  }
0x10c: {  	p1 =	slt.s32 s0, s18;
	s30 =	spop (v2sf)  }
0x10d: {  	s18 =	smov.u32 @p1 s0;
	s0 =	sxor.u32 $0x80000000, s30  }
0x10e: {  	p1 =	slt.s32 s18, s0;
	s31 =	spop (v2sf)  }
0x10f: {  	s0 =	smov.u32 @p1 s18;
	s18 =	sxor.u32 $0x80000000, s31  }
.Ltmp12:
0x110: {  	p1 =	slt.s32 s0, s18;
	s30 =	spop (v2sf);
	(pc) =	sbr.rel .LBB2_12-.Ltmp12, $4  }
0x111: {  	s18 =	smov.u32 @p1 s0;
	s0 =	sxor.u32 $0x80000000, s30  }
0x112: {  	p1 =	slt.s32 s18, s0  }
0x113: {  	s31 =	sadd.s32 s23, s26;
	s0 =	smov.u32 @p1 s18  }
0x114: {  	s18 =	sadd.s32 s0, s31  }
.LBB2_14:
.Ltmp13:
0x115: {  	(pc) =	sbr.rel .LBB2_15-.Ltmp13, $3  }
0x116: {  	_ =	sdelay $0x1  }
0x117: {  	s19 =	simm.f32 $-Inf  }
0x118: {  	s20 =	simm.s32 $0x0;
	s26 =	simm.s32 $0x0;
	s21 =	simm.s32 $0x0  }
.LBB2_21:
0x119: {  	s21 =	sadd.s32 $0x1, s21  }
0x11a: {  	p0 =	sne.s32 s21, $0x5  }
.Ltmp14:
0x11b: {  	_ = 	snop;
	(pc) =	sbr.rel @!p0 .LBB2_22-.Ltmp14, $1  }
0x11c: {  	_ =	sdelay $0x3  }
.LBB2_15:
0x11d: {  	s22 =	smul.u32 $0x4E20, s21;
	_ =	sdelay $0x1  }
0x11e: {  	s0 =	sadd.s32 s17, s22  }
0x11f: {  	s0 =	sshrl.u32 s0, $0x3  }
.Ltmp15:
0x120: {  	s0 =	sadd.s32 s7, s0;
	(pc) =	sbr.rel .LBB2_16-.Ltmp15, $4  }
0x121: {  	[tilespmem:s20], [sflag:$0x2] =	stream.linear.gather [hbm4b:s0+s20], $0x4E20, $0x38;
	[tilespmem:$0x5080] =	vst v63  }
0x122: {  	_ =	swait.ge [sflag:s14], $0x4E20  }
0x123: {  	[sflag:s14] =	ssyncset.done $0x0  }
0x124: {  	s23 =	simm.s32 $0x0;
	s24 =	simm.s32 $0x0;
	[sflag:s14] =	ssyncadd.s32 $0xFFFFB1E0  }
.LBB2_20:
0x125: {  	s24 =	sadd.s32 $0x1, s24  }
0x126: {  	p1 =	sne.s32 s24, $0x19  }
.Ltmp16:
0x127: {  	_ = 	snop;
	(pc) =	sbr.rel @!p1 .LBB2_21-.Ltmp16, $2  }
0x128: {  	_ =	sdelay $0x2  }
0x129: {  	s19 =	smov.u32 @p0 s28;
	s23 =	sadd.s32 $0x320, s23  }
.LBB2_16:
0x12a: {  	s25 =	smul.u32 $0x320, s24  }
0x12b: {  	s0 =	smul.u32 $0xC80, s24;
	_ =	sdelay $0x1  }
0x12c: {  	v9 =	vld [tilespmem:s25+$0x0];
	s28 =	sshra.s32 s0, $0x2  }
0x12d: {  	v10 =	vld [tilespmem:s28+$0x10]  }
0x12e: {  	v11 =	vld [tilespmem:s28+$0x20]  }
0x12f: {  	v12 =	vld [tilespmem:s28+$0x30]  }
0x130: {  	v13 =	vld [tilespmem:s28+$0x40]  }
0x131: {  	v14 =	vld [tilespmem:s28+$0x50]  }
0x132: {  	v15 =	vld [tilespmem:s28+$0x60]  }
0x133: {  	s29 =	sand.u32 $0x7FE0, s25;
	v16 =	vld [tilespmem:s28+$0x70]  }
0x134: {  	v17 =	vld [tilespmem:s29+$0x80]  }
0x135: {  	v18 =	vld [tilespmem:s28+$0x90]  }
0x136: {  	v19 =	vld [tilespmem:s28+$0xA0]  }
0x137: {  	v20 =	vld [tilespmem:s28+$0xB0]  }
0x138: {  	v21 =	vld [tilespmem:s28+$0xC0]  }
0x139: {  	v22 =	vld [tilespmem:s28+$0xD0]  }
0x13a: {  	v23 =	vld [tilespmem:s28+$0xE0]  }
0x13b: {  	v24 =	vld [tilespmem:s28+$0xF0]  }
0x13c: {  	v25 =	vld [tilespmem:s29+$0x100]  }
0x13d: {  	v26 =	vld [tilespmem:s28+$0x110]  }
0x13e: {  	v27 =	vld [tilespmem:s28+$0x120]  }
0x13f: {  	v28 =	vld [tilespmem:s28+$0x130]  }
0x140: {  	v29 =	vld [tilespmem:s28+$0x140]  }
0x141: {  	v30 =	vld [tilespmem:s28+$0x150]  }
0x142: {  	v31 =	vld [tilespmem:s28+$0x160]  }
0x143: {  	v32 =	vld [tilespmem:s28+$0x170]  }
0x144: {  	v33 =	vld [tilespmem:s29+$0x180]  }
0x145: {  	v34 =	vld [tilespmem:s28+$0x190]  }
0x146: {  	v35 =	vld [tilespmem:s28+$0x1A0]  }
0x147: {  	v36 =	vld [tilespmem:s28+$0x1B0]  }
0x148: {  	v37 =	vld [tilespmem:s28+$0x1C0]  }
0x149: {  	v38 =	vld [tilespmem:s28+$0x1D0]  }
0x14a: {  	v39 =	vld [tilespmem:s28+$0x1E0]  }
0x14b: {  	v40 =	vld [tilespmem:s28+$0x1F0]  }
0x14c: {  	v41 =	vld [tilespmem:s29+$0x200]  }
0x14d: {  	v42 =	vld [tilespmem:s28+$0x210]  }
0x14e: {  	v43 =	vld [tilespmem:s28+$0x220]  }
0x14f: {  	v44 =	vld [tilespmem:s28+$0x230]  }
0x150: {  	v45 =	vld [tilespmem:s28+$0x240]  }
0x151: {  	v46 =	vld [tilespmem:s28+$0x250]  }
0x152: {  	v47 =	vld [tilespmem:s28+$0x260]  }
0x153: {  	v53 =	vld [tilespmem:s28+$0x270];
	v9 =	vmax.f32 v9, v13  }
0x154: {  	v54 =	vld [tilespmem:s29+$0x280];
	v10 =	vmax.f32 v10, v14;
	v11 =	vmax.f32 v11, v15;
	v12 =	vmax.f32 v12, v16  }
0x155: {  	v55 =	vld [tilespmem:s28+$0x290];
	v9 =	vmax.f32 v9, v17;
	v10 =	vmax.f32 v10, v18;
	v11 =	vmax.f32 v11, v19  }
0x156: {  	v56 =	vld [tilespmem:s28+$0x2A0];
	v12 =	vmax.f32 v12, v20;
	v9 =	vmax.f32 v9, v21;
	v10 =	vmax.f32 v10, v22  }
0x157: {  	v57 =	vld [tilespmem:s28+$0x2B0];
	v11 =	vmax.f32 v11, v23;
	v12 =	vmax.f32 v12, v24;
	v9 =	vmax.f32 v9, v25  }
0x158: {  	v58 =	vld [tilespmem:s28+$0x2C0];
	v10 =	vmax.f32 v10, v26;
	v11 =	vmax.f32 v11, v27;
	v12 =	vmax.f32 v12, v28  }
0x159: {  	v59 =	vld [tilespmem:s28+$0x2D0];
	v9 =	vmax.f32 v9, v29;
	v10 =	vmax.f32 v10, v30;
	v11 =	vmax.f32 v11, v31  }
0x15a: {  	v60 =	vld [tilespmem:s28+$0x2E0];
	v12 =	vmax.f32 v12, v32;
	v9 =	vmax.f32 v9, v33;
	v10 =	vmax.f32 v10, v34  }
0x15b: {  	v61 =	vld [tilespmem:s28+$0x2F0];
	v11 =	vmax.f32 v11, v35;
	v12 =	vmax.f32 v12, v36;
	v9 =	vmax.f32 v9, v37  }
0x15c: {  	v62 =	vld [tilespmem:s29+$0x300];
	v10 =	vmax.f32 v10, v38;
	v11 =	vmax.f32 v11, v39;
	v12 =	vmax.f32 v12, v40  }
0x15d: {  	v63 =	vld [tilespmem:s28+$0x310];
	v9 =	vmax.f32 v9, v41;
	v10 =	vmax.f32 v10, v42;
	v11 =	vmax.f32 v11, v43  }
0x15e: {  	v12 =	vmax.f32 v12, v44;
	v9 =	vmax.f32 v9, v45;
	v10 =	vmax.f32 v10, v46  }
0x15f: {  	v11 =	vmax.f32 v11, v47;
	v12 =	vmax.f32 v12, v53;
	v9 =	vmax.f32 v9, v54  }
0x160: {  	v10 =	vmax.f32 v10, v55;
	v11 =	vmax.f32 v11, v56;
	v12 =	vmax.f32 v12, v57  }
0x161: {  	v9 =	vmax.f32 v9, v58;
	v10 =	vmax.f32 v10, v59;
	v11 =	vmax.f32 v11, v60  }
0x162: {  	v12 =	vmax.f32 v12, v61;
	v9 =	vmax.f32 v9, v62;
	v10 =	vmax.f32 v10, v63  }
0x163: {  	v9 =	vmax.f32 v9, v10;
	v10 =	vmax.f32 v11, v12  }
0x164: {  	v9 =	vmax.f32 v9, v10  }
0x165: {  	(xrf0) =	vmax.scan.msk.f32 $0xffff, v9;
	_ =	sdelay $0x5  }
0x166: {  	v9, _, _ =	vpop (xrf0)  }
0x167: {  	(v2sf) =	vpush v9, $0xF;
	_ =	sdelay $0xe  }
0x168: {  	s28 =	spop (v2sf)  }
0x169: {  	p0 =	sgt.f32 s28, s19  }
.Ltmp17:
0x16a: {  	_ = 	snop;
	(pc) =	sbr.rel @!p0 .LBB2_20-.Ltmp17, $1  }
0x16b: {  	_ =	sdelay $0x3  }
0x16c: {  	v10 =	vld [tilespmem:s23+$0x0];
	_ =	sdelay $0x2  }
0x16d: {  	v9 =	vbroadcast v9, $0xF  }
0x16e: {  	s0 =	simm.s32 $0x0  }
0x16f: {  	vm1 =	veq.f32 v10, v9;
	v10 =	vor.u32 s0, v2  }
0x170: {  	v10 =	vnsel vm1, $0xC0000000, v10  }
0x171: {  	(xrf0) =	vmin.scan.msk.u32 $0xffff, v10;
	_ =	sdelay $0x4  }
0x172: {  	s26 =	sadd.s32 $0x10, s23  }
0x173: {  	v11 =	vld [tilespmem:s26+$0x0];
	s0 =	sadd.s32 $0x10, s26;
	v10, _, _ =	vpop (xrf0)  }
0x174: {  	(v2sf) =	vpush v10, $0xF;
	v10 =	vld [tilespmem:s0+$0x0];
	_ =	sdelay $0x2  }
0x175: {  	s26 =	simm.s32 $0x10  }
0x176: {  	s29 =	simm.s32 $0x20;
	vm1 =	veq.f32 v11, v9;
	v11 =	vor.u32 s26, v2  }
0x177: {  	v11 =	vnsel vm1, $0xC0000000, v11;
	vm1 =	veq.f32 v10, v9;
	v10 =	vor.u32 s29, v2  }
0x178: {  	(xrf0) =	vmin.scan.msk.u32 $0xffff, v11;
	v10 =	vnsel vm1, $0xC0000000, v10  }
0x179: {  	(xrf0) =	vmin.scan.msk.u32 $0xffff, v10;
	_ =	sdelay $0x3  }
0x17a: {  	s0 =	sadd.s32 $0x10, s0  }
0x17b: {  	v11 =	vld [tilespmem:s0+$0x0];
	v12, _, _ =	vpop (xrf0)  }
0x17c: {  	(v2sf) =	vpush v12, $0xF;
	v63, _, _ =	vpop (xrf0)  }
0x17d: {  	(v2sf) =	vpush v63, $0xF;
	_ =	sdelay $0x1  }
0x17e: {  	s26 =	simm.s32 $0x30;
	s0 =	sadd.s32 $0x10, s0  }
0x17f: {  	vm1 =	veq.f32 v11, v9;
	v11 =	vor.u32 s26, v2;
	v10 =	vld [tilespmem:s0+$0x0]  }
0x180: {  	v11 =	vnsel vm1, $0xC0000000, v11  }
0x181: {  	(xrf0) =	vmin.scan.msk.u32 $0xffff, v11;
	_ =	sdelay $0x1  }
0x182: {  	s30 =	simm.s32 $0x40;
	s29 =	simm.s32 $0x50  }
0x183: {  	s26 =	simm.s32 $0x40000000;
	vm1 =	veq.f32 v10, v9;
	v10 =	vor.u32 s30, v2;
	s30 =	sadd.s32 $0x10, s0;
	s31 =	spop (v2sf)  }
.LBB2_18:
0x184: {  	s0 =	smov.u32 s26;
	p1 =	sne.s32 s29, $0x310  }
0x185: {  	v12 =	vnsel vm1, $0xC0000000, v10;
	s26 =	sxor.u32 $0x80000000, s31;
	s31 =	smov.u32 s29;
	s29 =	sadd.s32 $0x10, s29;
	v11 =	vld [tilespmem:s30+$0x0]  }
.Ltmp18:
0x186: {  	p2 =	slt.s32 s0, s26;
	(xrf0) =	vmin.scan.msk.u32 $0xffff, v12;
	v10, _, _ =	vpop (xrf0);
	(pc) =	sbr.rel @p1 .LBB2_18-.Ltmp18, $2  }
0x187: {  	s26 =	smov.u32 @p2 s0;
	(v2sf) =	vpush v10, $0xF;
	_ =	sdelay $0x2  }
0x188: {  	s30 =	sadd.s32 $0x10, s30;
	v10 =	vor.u32 s31, v2;
	vm1 =	veq.f32 v11, v9;
	s31 =	spop (v2sf)  }
0x189: {  	v9 =	vnsel vm1, $0xC0000000, v10  }
0x18a: {  	(xrf0) =	vmin.scan.msk.u32 $0xffff, v9;
	_ =	sdelay $0x3  }
0x18b: {  	v9, _, _ =	vpop (xrf0)  }
0x18c: {  	(v2sf) =	vpush v9, $0xF  }
0x18d: {  	v9, _, _ =	vpop (xrf0)  }
0x18e: {  	(v2sf) =	vpush v9, $0xF;
	_ =	sdelay $0x7  }
0x18f: {  	s0 =	sxor.u32 $0x80000000, s31  }
0x190: {  	s29 =	spop (v2sf);
	p1 =	slt.s32 s26, s0  }
0x191: {  	s0 =	smov.u32 @p1 s26;
	s26 =	sxor.u32 $0x80000000, s29  }
0x192: {  	p1 =	slt.s32 s0, s26;
	s31 =	spop (v2sf)  }
0x193: {  	s26 =	smov.u32 @p1 s0;
	s0 =	sxor.u32 $0x80000000, s31  }
0x194: {  	p1 =	slt.s32 s26, s0;
	s30 =	spop (v2sf)  }
0x195: {  	s0 =	smov.u32 @p1 s26;
	s26 =	sxor.u32 $0x80000000, s30  }
.Ltmp19:
0x196: {  	p1 =	slt.s32 s0, s26;
	s31 =	spop (v2sf);
	(pc) =	sbr.rel .LBB2_20-.Ltmp19, $4  }
0x197: {  	s26 =	smov.u32 @p1 s0;
	s0 =	sxor.u32 $0x80000000, s31  }
0x198: {  	p1 =	slt.s32 s26, s0  }
0x199: {  	s25 =	sadd.s32 s22, s25;
	s0 =	smov.u32 @p1 s26  }
0x19a: {  	s26 =	sadd.s32 s0, s25  }
.LBB2_24:
0x19b: {  	_ =	sfence.sel $0x180000  }
0x19c: {  	[bflag:$0x0] =	sbarrier.arrive $0xFFFF  }
0x19d: {  	_ =	strace $0x90000047  }
0x19e: {  	[bflag:$0x2] =	sbarrier.arrive $0xFFFF  }
0x19f: {  	p0 =	sne.s32 s3, $0x0;
	s0 =	rddreg [dreg:$0x4]  }
0x1a0: {  	s0 =	sadd.s32 @!p0 $0x100000, s0  }
0x1a1: {  	[sflag:s0] =	ssyncadd.tile.s32 @!p0 $0x1;
	_ =	shalt  }
.Lfunc_end2:
_tile_overlayer_lowered:
.L_overlay_start_2:
0x1a2: {  	(tag) =	ssettag $0x2  }
0x1a3: {  	s0 =	rddreg [dreg:$0x0];
	s2 =	stileid.u32  }
0x1a4: {  	s1 =	rddreg [dreg:$0x1];
	p0 =	sne.s32 s2, $0x0  }
0x1a5: {  	s3 =	rddreg [dreg:$0x2];
	[bflag:$0x3] =	sbarrier.arrive $0xFFFF;
	s2 =	simm.s32 @!p0 $0x1C01  }
0x1a6: {  	[timem:s3], [sflag:s2] =	dma.local @!p0 [hbm:s0], s1  }
0x1a7: {  	s0 =	simm.s32 @!p0 $0x1  }
0x1a8: {  	_ =	swait.ge @!p0 [sflag:s0], s1  }
0x1a9: {  	s1 =	ssub.s32 @!p0 $0x0, s1;
	[sflag:s0] =	ssyncset.done @!p0 $0x0  }
0x1aa: {  	[sflag:s0] =	ssyncadd.s32 @!p0 s1  }
0x1ab: {  	[bflag:$0x3] =	sbarrier.arrive $0xFFFF  }
0x1ac: {  	_ =	shalt  }

</sc_bundles>
